<compile_context>
chip_gen: v7x
topology: tpu7x:2x2x1
jax: 0.10.2.dev20260603
libtpu: 0.0.44.dev20260713+nightly
codegen_flags: <defaults>
</compile_context>

<pallas_src>
import functools

import jax
import jax.numpy as jnp
from jax import lax
from jax.experimental import pallas as pl
from jax.experimental.pallas import tpu as pltpu
from jax.experimental.pallas import tpu_sc as plsc

N_ROWS = 1600000
G = 64
NC = 2
NS = 16
L = 16
NW = NC * NS
MAIN = (N_ROWS // 1024) * 1024
TAIL = N_ROWS - MAIN
PER_W = MAIN // NW
VECS = PER_W // L
TVECS = TAIL // L
U = 8
CH0 = 1560
CH1 = VECS - CH0
E0 = CH0 * L

_sc_mesh = plsc.VectorSubcoreMesh(core_axis_name="c", subcore_axis_name="s")


@functools.partial(
    pl.kernel,
    out_type=(
        jax.ShapeDtypeStruct((NW * G * L,), jnp.float32),
        jax.ShapeDtypeStruct((NW * G * L,), jnp.float32),
    ),
    mesh=_sc_mesh,
    compiler_params=pltpu.CompilerParams(
        needs_layout_passes=False, use_tc_tiling_on_sc=False),
    scratch_types=(
        pltpu.VMEM((PER_W,), jnp.int32),
        pltpu.VMEM((PER_W,), jnp.float32),
        pltpu.VMEM((TAIL,), jnp.int32),
        pltpu.VMEM((TAIL,), jnp.float32),
        pltpu.VMEM((G * L,), jnp.float32),
    ) + tuple(pltpu.VMEM((G * L,), jnp.float32) for _ in range(U))
      + (pltpu.SemaphoreType.DMA,) * 4,
)
def _sc_partials(key_hbm, val_hbm, ktail_hbm, vtail_hbm, psum_hbm, pmax_hbm,
                 keys_v, vals_v, ktail_v, vtail_v, accs_v, *rest):
    banks = rest[:U]
    sem_k0, sem_v0, sem_k1, sem_v1 = rest[U:]
    wid = lax.axis_index("s") * NC + lax.axis_index("c")
    base = wid * PER_W
    cp_k0 = pltpu.async_copy(
        key_hbm.at[pl.ds(base, E0)], keys_v.at[pl.ds(0, E0)], sem_k0)
    cp_v0 = pltpu.async_copy(
        val_hbm.at[pl.ds(base, E0)], vals_v.at[pl.ds(0, E0)], sem_v0)
    cp_k1 = pltpu.async_copy(
        key_hbm.at[pl.ds(base + E0, PER_W - E0)],
        keys_v.at[pl.ds(E0, PER_W - E0)], sem_k1)
    cp_v1 = pltpu.async_copy(
        val_hbm.at[pl.ds(base + E0, PER_W - E0)],
        vals_v.at[pl.ds(E0, PER_W - E0)], sem_v1)

    zeros = jnp.zeros((L,), jnp.float32)
    neg_inf = jnp.full((L,), -jnp.inf, jnp.float32)

    def init_body(g, _):
        off = g * L
        accs_v[pl.ds(off, L)] = zeros
        for b in banks:
            b[pl.ds(off, L)] = neg_inf
        return _

    lax.fori_loop(0, G, init_body, None)

    lane1008 = lax.iota(jnp.int32, L) + (G - 1) * L

    def load_group(vec0, n):
        off = vec0 * L
        kvs = [keys_v[pl.ds(off + u * L, L)] for u in range(n)]
        vvs = [vals_v[pl.ds(off + u * L, L)] for u in range(n)]
        return tuple(kvs) + tuple(vvs)

    def process(regs, n):
        kvs, vvs = regs[:n], regs[n:]
        idxs = [lane1008 - (kv << 4) for kv in kvs]
        for u in range(n):
            plsc.addupdate_scatter(accs_v, [idxs[u]], vvs[u])
        curs = [plsc.load_gather(banks[u], [idxs[u]]) for u in range(n)]
        news = [jnp.maximum(curs[u], vvs[u]) for u in range(n)]
        for u in range(n):
            plsc.store_scatter(banks[u], [idxs[u]], news[u])

    cp_k0.wait()
    cp_v0.wait()

    def body0(i, _):
        process(load_group(i * U, U), U)
        return _

    lax.fori_loop(0, CH0 // U, body0, None)

    cp_k1.wait()
    cp_v1.wait()

    def body1(i, _):
        process(load_group(CH0 + i * U, U), U)
        return _

    lax.fori_loop(0, CH1 // U, body1, None)
    process(load_group(CH0 + (CH1 // U) * U, CH1 % U), CH1 % U)

    @pl.when(wid == 0)
    def _tail():
        pltpu.sync_copy(ktail_hbm, ktail_v)
        pltpu.sync_copy(vtail_hbm, vtail_v)

        def tbody(i, _):
            off = i * L
            kv = ktail_v[pl.ds(off, L)]
            vv = vtail_v[pl.ds(off, L)]
            idx = lane1008 - (kv << 4)
            plsc.addupdate_scatter(accs_v, [idx], vv)
            cur = plsc.load_gather(banks[0], [idx])
            plsc.store_scatter(banks[0], [idx], jnp.maximum(cur, vv))
            return _

        lax.fori_loop(0, TVECS, tbody, None)

    def merge_body(g, _):
        off = g * L
        rows = [b[pl.ds(off, L)] for b in banks]
        while len(rows) > 1:
            rows = [jnp.maximum(rows[i], rows[i + 1])
                    for i in range(0, len(rows) - 1, 2)] + (
                [rows[-1]] if len(rows) % 2 else [])
        banks[0][pl.ds(off, L)] = rows[0]
        return _

    lax.fori_loop(0, G, merge_body, None)

    pltpu.sync_copy(accs_v, psum_hbm.at[pl.ds(wid * (G * L), G * L)])
    pltpu.sync_copy(banks[0], pmax_hbm.at[pl.ds(wid * (G * L), G * L)])


def _combine_body(psum_ref, pmax_ref, sum_ref, max_ref):
    ps = psum_ref[...].reshape(NW, 8, 2 * G)
    pm = pmax_ref[...].reshape(NW, 8, 2 * G)
    s8 = jnp.sum(ps, axis=0)
    m8 = jnp.max(pm, axis=0)
    ts = jnp.concatenate(
        [jnp.sum(s8[:, 16 * k:16 * k + 16], axis=1, keepdims=True)
         for k in range(8)], axis=1)
    tm = jnp.concatenate(
        [jnp.max(m8[:, 16 * k:16 * k + 16], axis=1, keepdims=True)
         for k in range(8)], axis=1)
    jj = lax.broadcasted_iota(jnp.int32, (8, 8, 2 * G), 0)
    kk = lax.broadcasted_iota(jnp.int32, (8, 8, 2 * G), 1)
    cc = lax.broadcasted_iota(jnp.int32, (8, 8, 2 * G), 2)
    pick = ((jj == (cc % G) // 8) & (kk == cc % 8)).astype(jnp.float32)
    qs = jnp.sum(ts[:, :, None] * pick, axis=(0, 1))
    qm = jnp.sum(tm[:, :, None] * pick, axis=(0, 1))
    sum_ref[...] = jnp.broadcast_to(qs[None, :], (G // 2, 2 * G))
    max_ref[...] = jnp.broadcast_to(qm[None, :], (G // 2, 2 * G))


_combine = pl.pallas_call(
    _combine_body,
    out_shape=(
        jax.ShapeDtypeStruct((G // 2, 2 * G), jnp.float32),
        jax.ShapeDtypeStruct((G // 2, 2 * G), jnp.float32),
    ),
)


def kernel(key, value):
    kmain = lax.slice(key, (0, 0), (MAIN, 1)).reshape(MAIN)
    ktail = lax.slice(key, (MAIN, 0), (N_ROWS, 1)).reshape(TAIL)
    vmain = lax.slice(value, (0, 0), (MAIN, 1)).reshape(MAIN)
    vtail = lax.slice(value, (MAIN, 0), (N_ROWS, 1)).reshape(TAIL)
    psum, pmax = _sc_partials(kmain, vmain, ktail, vtail)
    s2d, m2d = _combine(psum.reshape(NW * 8, 2 * G),
                        pmax.reshape(NW * 8, 2 * G))
    out_key = ((G - 1) - jnp.arange(G, dtype=key.dtype)).reshape(G, 1)
    return (out_key, s2d.reshape(-1, 1), m2d.reshape(-1, 1))

# --- scband reference (transcript-rebuilt; emitter-appended) ---
"""Pipeline reference for scband-sqlgroup-by-mapping-model-24541443129981 (READ-ONLY COPY).

The authoritative reference and input builder live on the scoring server;
editing this copy changes nothing except your own understanding.
"""

import math
import jax
import jax.numpy as jnp
import numpy as np

N_ROWS = 1600000
N_GROUPS = 64


def setup_inputs() -> dict:
    root = jax.random.key(0)
    k1, k2 = jax.random.split(root)
    key_col = jax.random.randint(k1, (N_ROWS, 1), 0, N_GROUPS)
    # guarantee every group id appears so total_group_count == N_GROUPS deterministically
    key_col = key_col.at[:N_GROUPS, 0].set(jnp.arange(N_GROUPS, dtype=key_col.dtype))
    value = jax.random.normal(k2, (N_ROWS, 1), dtype=jnp.float32)
    return {"key": key_col, "value": value}


def find_mapping_indices(x, reverse_sorted_y):
    # faithful port of SQLGroupByMappingModel.find_mapping_indices (binary search
    # over a descending-sorted unique-key array)
    N = int(reverse_sorted_y.shape[0])
    N_prime = 2 ** int(math.ceil(np.log2(N)))
    pad = N_prime - N
    if pad > 0:
        reverse_sorted_y = jnp.concatenate(
            [jnp.full((pad,), reverse_sorted_y[-1] - 1, dtype=reverse_sorted_y.dtype), reverse_sorted_y]
        )
    x = x.reshape(-1)
    offset = N_prime // 2
    bins = x <= reverse_sorted_y[offset]
    pos = bins.astype(jnp.int32) * offset
    offset = int(math.ceil(offset / 2))
    for _ in range(1, int(np.log2(N_prime))):
        bins = x <= reverse_sorted_y[pos + offset]
        pos = pos + bins.astype(jnp.int32) * offset
        offset = int(offset // 2)
    return pos


def reference(key, value):
    # reverse-sorted unique group keys (torch.sort(torch.unique(x), descending=True)[0])
    u_desc = jnp.sort(jnp.unique(key, size=N_GROUPS))[::-1]
    G = int(u_desc.shape[0])
    # per-row group index into the descending unique array
    pos = find_mapping_indices(key, u_desc)
    # group_counts = cat([sum(group_indices == g) for g in range(G)])
    counts = jnp.bincount(pos, length=G)
    mask = counts > 0
    n_sel = G
    # projection 1: group-by key column (masked_select of [G,1] keys by [G,1] mask)
    group_keys = u_desc.reshape(-1, 1)
    sel_idx = jnp.nonzero(mask, size=G)[0]
    out_key = group_keys.reshape(-1)[sel_idx].reshape(-1, 1)
    # projections 2/3: Sum(value), Max(value) per group.
    # torch builds a 1-D [G] aggregate then calls masked_select with a [G,1] mask,
    # which BROADCASTS to [G,G]: the result is the full [G] aggregate vector
    # repeated once per selected (non-empty) group, then reshaped to [-1,1].
    vflat = value.reshape(-1)
    sums = jax.ops.segment_sum(vflat, pos, num_segments=G)
    maxs = jax.ops.segment_max(vflat, pos, num_segments=G)
    out_sum = jnp.tile(sums, n_sel).reshape(-1, 1)
    out_max = jnp.tile(maxs, n_sel).reshape(-1, 1)
    return (out_key, out_sum, out_max)

if __name__ == "__main__":
    import jax
    _d = setup_inputs()
    print(jax.jit(kernel)(*tuple(_d.values())))

</pallas_src>

<mosaic_0001>
#map = affine_map<(d0, d1) -> (0)>
module attributes {stable_mosaic.version = 14 : i64} {
  func.func @_sc_partials(%arg0: i32, %arg1: i32, %arg2: memref<1599488xi32, #tpu.memory_space<hbm>>, %arg3: memref<1599488xf32, #tpu.memory_space<hbm>>, %arg4: memref<512xi32, #tpu.memory_space<hbm>>, %arg5: memref<512xf32, #tpu.memory_space<hbm>>, %arg6: memref<32768xf32, #tpu.memory_space<hbm>>, %arg7: memref<32768xf32, #tpu.memory_space<hbm>>, %arg8: memref<49984xi32, #tpu.memory_space<vmem>>, %arg9: memref<49984xf32, #tpu.memory_space<vmem>>, %arg10: memref<512xi32, #tpu.memory_space<vmem>>, %arg11: memref<512xf32, #tpu.memory_space<vmem>>, %arg12: memref<1024xf32, #tpu.memory_space<vmem>>, %arg13: memref<1024xf32, #tpu.memory_space<vmem>>, %arg14: memref<1024xf32, #tpu.memory_space<vmem>>, %arg15: memref<1024xf32, #tpu.memory_space<vmem>>, %arg16: memref<1024xf32, #tpu.memory_space<vmem>>, %arg17: memref<1024xf32, #tpu.memory_space<vmem>>, %arg18: memref<1024xf32, #tpu.memory_space<vmem>>, %arg19: memref<1024xf32, #tpu.memory_space<vmem>>, %arg20: memref<1024xf32, #tpu.memory_space<vmem>>, %arg21: memref<!tpu.dma_semaphore, #tpu.memory_space<semaphore_mem>>, %arg22: memref<!tpu.dma_semaphore, #tpu.memory_space<semaphore_mem>>, %arg23: memref<!tpu.dma_semaphore, #tpu.memory_space<semaphore_mem>>, %arg24: memref<!tpu.dma_semaphore, #tpu.memory_space<semaphore_mem>>) attributes {dimension_semantics = [#tpu.dimension_semantics<core_parallel>, #tpu.dimension_semantics<subcore_parallel>], iteration_bounds = array<i64: 2, 16>, scalar_prefetch = 0 : i64, scratch_operands = 17 : i64, tpu.core_type = #tpu.core_type<sc_vector_subcore>, window_params = [{transform_indices = #map}, {transform_indices = #map}, {transform_indices = #map}, {transform_indices = #map}, {transform_indices = #map}, {transform_indices = #map}]} {
    %mul3A = arith.constant 2 : i32
    %mul3A_0 = arith.muli %arg1, %mul3A : i32
    %add3A = arith.addi %mul3A_0, %arg0 : i32
    %mul3A_1 = arith.constant 49984 : i32
    %mul3A_2 = arith.muli %add3A, %mul3A_1 : i32
    %dma_start3A = arith.constant 0 : i32
    %dma_start3A_3 = tpu.memref_slice %arg8[%dma_start3A] : memref<49984xi32, #tpu.memory_space<vmem>> -> memref<24960xi32, #tpu.memory_space<vmem>>
    %dma_start3A_4 = tpu.memref_slice %arg2[%mul3A_2] : memref<1599488xi32, #tpu.memory_space<hbm>> -> memref<24960xi32, #tpu.memory_space<hbm>>
    %dma_start3A_5 = arith.constant 0 : i32
    %dma_start3A_6 = tpu.memref_slice %arg8[%dma_start3A_5] : memref<49984xi32, #tpu.memory_space<vmem>> -> memref<24960xi32, #tpu.memory_space<vmem>>
    %dma_start3A_7 = tpu.memref_slice %arg2[%mul3A_2] : memref<1599488xi32, #tpu.memory_space<hbm>> -> memref<24960xi32, #tpu.memory_space<hbm>>
    tpu.enqueue_dma source(%dma_start3A_7 : memref<24960xi32, #tpu.memory_space<hbm>>) target(%dma_start3A_6 : memref<24960xi32, #tpu.memory_space<vmem>>) target_semaphore(%arg21 : memref<!tpu.dma_semaphore, #tpu.memory_space<semaphore_mem>>)
    %dma_start3A_8 = arith.constant 0 : i32
    %dma_start3A_9 = tpu.memref_slice %arg9[%dma_start3A_8] : memref<49984xf32, #tpu.memory_space<vmem>> -> memref<24960xf32, #tpu.memory_space<vmem>>
    %dma_start3A_10 = tpu.memref_slice %arg3[%mul3A_2] : memref<1599488xf32, #tpu.memory_space<hbm>> -> memref<24960xf32, #tpu.memory_space<hbm>>
    %dma_start3A_11 = arith.constant 0 : i32
    %dma_start3A_12 = tpu.memref_slice %arg9[%dma_start3A_11] : memref<49984xf32, #tpu.memory_space<vmem>> -> memref<24960xf32, #tpu.memory_space<vmem>>
    %dma_start3A_13 = tpu.memref_slice %arg3[%mul3A_2] : memref<1599488xf32, #tpu.memory_space<hbm>> -> memref<24960xf32, #tpu.memory_space<hbm>>
    tpu.enqueue_dma source(%dma_start3A_13 : memref<24960xf32, #tpu.memory_space<hbm>>) target(%dma_start3A_12 : memref<24960xf32, #tpu.memory_space<vmem>>) target_semaphore(%arg22 : memref<!tpu.dma_semaphore, #tpu.memory_space<semaphore_mem>>)
    %add3A_14 = arith.constant 24960 : i32
    %add3A_15 = arith.addi %mul3A_2, %add3A_14 : i32
    %dma_start3A_16 = arith.constant 24960 : i32
    %dma_start3A_17 = tpu.memref_slice %arg8[%dma_start3A_16] : memref<49984xi32, #tpu.memory_space<vmem>> -> memref<25024xi32, #tpu.memory_space<vmem>>
    %dma_start3A_18 = tpu.memref_slice %arg2[%add3A_15] : memref<1599488xi32, #tpu.memory_space<hbm>> -> memref<25024xi32, #tpu.memory_space<hbm>>
    %dma_start3A_19 = arith.constant 24960 : i32
    %dma_start3A_20 = tpu.memref_slice %arg8[%dma_start3A_19] : memref<49984xi32, #tpu.memory_space<vmem>> -> memref<25024xi32, #tpu.memory_space<vmem>>
    %dma_start3A_21 = tpu.memref_slice %arg2[%add3A_15] : memref<1599488xi32, #tpu.memory_space<hbm>> -> memref<25024xi32, #tpu.memory_space<hbm>>
    tpu.enqueue_dma source(%dma_start3A_21 : memref<25024xi32, #tpu.memory_space<hbm>>) target(%dma_start3A_20 : memref<25024xi32, #tpu.memory_space<vmem>>) target_semaphore(%arg23 : memref<!tpu.dma_semaphore, #tpu.memory_space<semaphore_mem>>)
    %add3A_22 = arith.constant 24960 : i32
    %add3A_23 = arith.addi %mul3A_2, %add3A_22 : i32
    %dma_start3A_24 = arith.constant 24960 : i32
    %dma_start3A_25 = tpu.memref_slice %arg9[%dma_start3A_24] : memref<49984xf32, #tpu.memory_space<vmem>> -> memref<25024xf32, #tpu.memory_space<vmem>>
    %dma_start3A_26 = tpu.memref_slice %arg3[%add3A_23] : memref<1599488xf32, #tpu.memory_space<hbm>> -> memref<25024xf32, #tpu.memory_space<hbm>>
    %dma_start3A_27 = arith.constant 24960 : i32
    %dma_start3A_28 = tpu.memref_slice %arg9[%dma_start3A_27] : memref<49984xf32, #tpu.memory_space<vmem>> -> memref<25024xf32, #tpu.memory_space<vmem>>
    %dma_start3A_29 = tpu.memref_slice %arg3[%add3A_23] : memref<1599488xf32, #tpu.memory_space<hbm>> -> memref<25024xf32, #tpu.memory_space<hbm>>
    tpu.enqueue_dma source(%dma_start3A_29 : memref<25024xf32, #tpu.memory_space<hbm>>) target(%dma_start3A_28 : memref<25024xf32, #tpu.memory_space<vmem>>) target_semaphore(%arg24 : memref<!tpu.dma_semaphore, #tpu.memory_space<semaphore_mem>>)
    %broadcast_in_dim3A = arith.constant 0.000000e+00 : f32
    %broadcast_in_dim3A_30 = vector.broadcast %broadcast_in_dim3A : f32 to vector<16xf32>
    %broadcast_in_dim3A_31 = arith.constant 0xFF800000 : f32
    %broadcast_in_dim3A_32 = vector.broadcast %broadcast_in_dim3A_31 : f32 to vector<16xf32>
    %scan3A = arith.constant 0 : i32
    %scan3A_33 = arith.constant 64 : i32
    %scan3A_34 = arith.addi %scan3A, %scan3A_33 : i32
    %scan3A_35 = arith.constant 1 : i32
    scf.for %scan3A_119 = %scan3A to %scan3A_34 step %scan3A_35  : i32 {
      %mul3A_120 = arith.constant 16 : i32
      %mul3A_121 = arith.muli %scan3A_119, %mul3A_120 : i32
      %swap3A = arith.index_cast %mul3A_121 : i32 to index
      %swap3A_122 = tpu.vector_load %arg12[%swap3A] {strides = array<i32>} : memref<1024xf32, #tpu.memory_space<vmem>>, vector<16xf32>,
      tpu.vector_store %arg12[%swap3A], %broadcast_in_dim3A_30 {strides = array<i32>} : memref<1024xf32, #tpu.memory_space<vmem>>, vector<16xf32>,
      %swap3A_123 = arith.index_cast %mul3A_121 : i32 to index
      %swap3A_124 = tpu.vector_load %arg13[%swap3A_123] {strides = array<i32>} : memref<1024xf32, #tpu.memory_space<vmem>>, vector<16xf32>,
      tpu.vector_store %arg13[%swap3A_123], %broadcast_in_dim3A_32 {strides = array<i32>} : memref<1024xf32, #tpu.memory_space<vmem>>, vector<16xf32>,
      %swap3A_125 = arith.index_cast %mul3A_121 : i32 to index
      %swap3A_126 = tpu.vector_load %arg14[%swap3A_125] {strides = array<i32>} : memref<1024xf32, #tpu.memory_space<vmem>>, vector<16xf32>,
      tpu.vector_store %arg14[%swap3A_125], %broadcast_in_dim3A_32 {strides = array<i32>} : memref<1024xf32, #tpu.memory_space<vmem>>, vector<16xf32>,
      %swap3A_127 = arith.index_cast %mul3A_121 : i32 to index
      %swap3A_128 = tpu.vector_load %arg15[%swap3A_127] {strides = array<i32>} : memref<1024xf32, #tpu.memory_space<vmem>>, vector<16xf32>,
      tpu.vector_store %arg15[%swap3A_127], %broadcast_in_dim3A_32 {strides = array<i32>} : memref<1024xf32, #tpu.memory_space<vmem>>, vector<16xf32>,
      %swap3A_129 = arith.index_cast %mul3A_121 : i32 to index
      %swap3A_130 = tpu.vector_load %arg16[%swap3A_129] {strides = array<i32>} : memref<1024xf32, #tpu.memory_space<vmem>>, vector<16xf32>,
      tpu.vector_store %arg16[%swap3A_129], %broadcast_in_dim3A_32 {strides = array<i32>} : memref<1024xf32, #tpu.memory_space<vmem>>, vector<16xf32>,
      %swap3A_131 = arith.index_cast %mul3A_121 : i32 to index
      %swap3A_132 = tpu.vector_load %arg17[%swap3A_131] {strides = array<i32>} : memref<1024xf32, #tpu.memory_space<vmem>>, vector<16xf32>,
      tpu.vector_store %arg17[%swap3A_131], %broadcast_in_dim3A_32 {strides = array<i32>} : memref<1024xf32, #tpu.memory_space<vmem>>, vector<16xf32>,
      %swap3A_133 = arith.index_cast %mul3A_121 : i32 to index
      %swap3A_134 = tpu.vector_load %arg18[%swap3A_133] {strides = array<i32>} : memref<1024xf32, #tpu.memory_space<vmem>>, vector<16xf32>,
      tpu.vector_store %arg18[%swap3A_133], %broadcast_in_dim3A_32 {strides = array<i32>} : memref<1024xf32, #tpu.memory_space<vmem>>, vector<16xf32>,
      %swap3A_135 = arith.index_cast %mul3A_121 : i32 to index
      %swap3A_136 = tpu.vector_load %arg19[%swap3A_135] {strides = array<i32>} : memref<1024xf32, #tpu.memory_space<vmem>>, vector<16xf32>,
      tpu.vector_store %arg19[%swap3A_135], %broadcast_in_dim3A_32 {strides = array<i32>} : memref<1024xf32, #tpu.memory_space<vmem>>, vector<16xf32>,
      %swap3A_137 = arith.index_cast %mul3A_121 : i32 to index
      %swap3A_138 = tpu.vector_load %arg20[%swap3A_137] {strides = array<i32>} : memref<1024xf32, #tpu.memory_space<vmem>>, vector<16xf32>,
      tpu.vector_store %arg20[%swap3A_137], %broadcast_in_dim3A_32 {strides = array<i32>} : memref<1024xf32, #tpu.memory_space<vmem>>, vector<16xf32>,
    }
    %scan3A_36 = arith.constant 64 : i32
    %iota3A = tpu.iota {dimensions = array<i32: 0>} : vector<16xi32>
    %add3A_37 = arith.constant 1008 : i32
    %add3A_38 = vector.broadcast %add3A_37 : i32 to vector<16xi32>
    %add3A_39 = arith.addi %iota3A, %add3A_38 : vector<16xi32>
    %dma_wait3A = arith.constant 0 : i32
    %dma_wait3A_40 = tpu.memref_slice %arg8[%dma_wait3A] : memref<49984xi32, #tpu.memory_space<vmem>> -> memref<24960xi32, #tpu.memory_space<vmem>>
    %dma_wait3A_41 = tpu.memref_slice %arg2[%mul3A_2] : memref<1599488xi32, #tpu.memory_space<hbm>> -> memref<24960xi32, #tpu.memory_space<hbm>>
    %dma_wait3A_42 = arith.constant 0 : i32
    %dma_wait3A_43 = tpu.memref_slice %arg8[%dma_wait3A_42] : memref<49984xi32, #tpu.memory_space<vmem>> -> memref<24960xi32, #tpu.memory_space<vmem>>
    %dma_wait3A_44 = tpu.memref_slice %arg2[%mul3A_2] : memref<1599488xi32, #tpu.memory_space<hbm>> -> memref<24960xi32, #tpu.memory_space<hbm>>
    tpu.wait_dma2 semaphore(%arg21 : memref<!tpu.dma_semaphore, #tpu.memory_space<semaphore_mem>>) src(%dma_wait3A_44 : memref<24960xi32, #tpu.memory_space<hbm>>) dst(%dma_wait3A_43 : memref<24960xi32, #tpu.memory_space<vmem>>)
    %dma_wait3A_45 = arith.constant 0 : i32
    %dma_wait3A_46 = tpu.memref_slice %arg9[%dma_wait3A_45] : memref<49984xf32, #tpu.memory_space<vmem>> -> memref<24960xf32, #tpu.memory_space<vmem>>
    %dma_wait3A_47 = tpu.memref_slice %arg3[%mul3A_2] : memref<1599488xf32, #tpu.memory_space<hbm>> -> memref<24960xf32, #tpu.memory_space<hbm>>
    %dma_wait3A_48 = arith.constant 0 : i32
    %dma_wait3A_49 = tpu.memref_slice %arg9[%dma_wait3A_48] : memref<49984xf32, #tpu.memory_space<vmem>> -> memref<24960xf32, #tpu.memory_space<vmem>>
    %dma_wait3A_50 = tpu.memref_slice %arg3[%mul3A_2] : memref<1599488xf32, #tpu.memory_space<hbm>> -> memref<24960xf32, #tpu.memory_space<hbm>>
    tpu.wait_dma2 semaphore(%arg22 : memref<!tpu.dma_semaphore, #tpu.memory_space<semaphore_mem>>) src(%dma_wait3A_50 : memref<24960xf32, #tpu.memory_space<hbm>>) dst(%dma_wait3A_49 : memref<24960xf32, #tpu.memory_space<vmem>>)
    %scan3A_51 = arith.constant 0 : i32
    %scan3A_52 = arith.constant 195 : i32
    %scan3A_53 = arith.addi %scan3A_51, %scan3A_52 : i32
    %scan3A_54 = arith.constant 1 : i32
    scf.for %scan3A_119 = %scan3A_51 to %scan3A_53 step %scan3A_54  : i32 {
      %mul3A_120 = arith.constant 8 : i32
      %mul3A_121 = arith.muli %scan3A_119, %mul3A_120 : i32
      %mul3A_122 = arith.constant 16 : i32
      %mul3A_123 = arith.muli %mul3A_121, %mul3A_122 : i32
      %add3A_124 = arith.constant 0 : i32
      %add3A_125 = arith.addi %mul3A_123, %add3A_124 : i32
      %get3A_126 = arith.index_cast %add3A_125 : i32 to index
      %get3A_127 = tpu.vector_load %arg8[%get3A_126] {strides = array<i32>} : memref<49984xi32, #tpu.memory_space<vmem>>, vector<16xi32>,
      %add3A_128 = arith.constant 16 : i32
      %add3A_129 = arith.addi %mul3A_123, %add3A_128 : i32
      %get3A_130 = arith.index_cast %add3A_129 : i32 to index
      %get3A_131 = tpu.vector_load %arg8[%get3A_130] {strides = array<i32>} : memref<49984xi32, #tpu.memory_space<vmem>>, vector<16xi32>,
      %add3A_132 = arith.constant 32 : i32
      %add3A_133 = arith.addi %mul3A_123, %add3A_132 : i32
      %get3A_134 = arith.index_cast %add3A_133 : i32 to index
      %get3A_135 = tpu.vector_load %arg8[%get3A_134] {strides = array<i32>} : memref<49984xi32, #tpu.memory_space<vmem>>, vector<16xi32>,
      %add3A_136 = arith.constant 48 : i32
      %add3A_137 = arith.addi %mul3A_123, %add3A_136 : i32
      %get3A_138 = arith.index_cast %add3A_137 : i32 to index
      %get3A_139 = tpu.vector_load %arg8[%get3A_138] {strides = array<i32>} : memref<49984xi32, #tpu.memory_space<vmem>>, vector<16xi32>,
      %add3A_140 = arith.constant 64 : i32
      %add3A_141 = arith.addi %mul3A_123, %add3A_140 : i32
      %get3A_142 = arith.index_cast %add3A_141 : i32 to index
      %get3A_143 = tpu.vector_load %arg8[%get3A_142] {strides = array<i32>} : memref<49984xi32, #tpu.memory_space<vmem>>, vector<16xi32>,
      %add3A_144 = arith.constant 80 : i32
      %add3A_145 = arith.addi %mul3A_123, %add3A_144 : i32
      %get3A_146 = arith.index_cast %add3A_145 : i32 to index
      %get3A_147 = tpu.vector_load %arg8[%get3A_146] {strides = array<i32>} : memref<49984xi32, #tpu.memory_space<vmem>>, vector<16xi32>,
      %add3A_148 = arith.constant 96 : i32
      %add3A_149 = arith.addi %mul3A_123, %add3A_148 : i32
      %get3A_150 = arith.index_cast %add3A_149 : i32 to index
      %get3A_151 = tpu.vector_load %arg8[%get3A_150] {strides = array<i32>} : memref<49984xi32, #tpu.memory_space<vmem>>, vector<16xi32>,
      %add3A_152 = arith.constant 112 : i32
      %add3A_153 = arith.addi %mul3A_123, %add3A_152 : i32
      %get3A_154 = arith.index_cast %add3A_153 : i32 to index
      %get3A_155 = tpu.vector_load %arg8[%get3A_154] {strides = array<i32>} : memref<49984xi32, #tpu.memory_space<vmem>>, vector<16xi32>,
      %add3A_156 = arith.constant 0 : i32
      %add3A_157 = arith.addi %mul3A_123, %add3A_156 : i32
      %get3A_158 = arith.index_cast %add3A_157 : i32 to index
      %get3A_159 = tpu.vector_load %arg9[%get3A_158] {strides = array<i32>} : memref<49984xf32, #tpu.memory_space<vmem>>, vector<16xf32>,
      %add3A_160 = arith.constant 16 : i32
      %add3A_161 = arith.addi %mul3A_123, %add3A_160 : i32
      %get3A_162 = arith.index_cast %add3A_161 : i32 to index
      %get3A_163 = tpu.vector_load %arg9[%get3A_162] {strides = array<i32>} : memref<49984xf32, #tpu.memory_space<vmem>>, vector<16xf32>,
      %add3A_164 = arith.constant 32 : i32
      %add3A_165 = arith.addi %mul3A_123, %add3A_164 : i32
      %get3A_166 = arith.index_cast %add3A_165 : i32 to index
      %get3A_167 = tpu.vector_load %arg9[%get3A_166] {strides = array<i32>} : memref<49984xf32, #tpu.memory_space<vmem>>, vector<16xf32>,
      %add3A_168 = arith.constant 48 : i32
      %add3A_169 = arith.addi %mul3A_123, %add3A_168 : i32
      %get3A_170 = arith.index_cast %add3A_169 : i32 to index
      %get3A_171 = tpu.vector_load %arg9[%get3A_170] {strides = array<i32>} : memref<49984xf32, #tpu.memory_space<vmem>>, vector<16xf32>,
      %add3A_172 = arith.constant 64 : i32
      %add3A_173 = arith.addi %mul3A_123, %add3A_172 : i32
      %get3A_174 = arith.index_cast %add3A_173 : i32 to index
      %get3A_175 = tpu.vector_load %arg9[%get3A_174] {strides = array<i32>} : memref<49984xf32, #tpu.memory_space<vmem>>, vector<16xf32>,
      %add3A_176 = arith.constant 80 : i32
      %add3A_177 = arith.addi %mul3A_123, %add3A_176 : i32
      %get3A_178 = arith.index_cast %add3A_177 : i32 to index
      %get3A_179 = tpu.vector_load %arg9[%get3A_178] {strides = array<i32>} : memref<49984xf32, #tpu.memory_space<vmem>>, vector<16xf32>,
      %add3A_180 = arith.constant 96 : i32
      %add3A_181 = arith.addi %mul3A_123, %add3A_180 : i32
      %get3A_182 = arith.index_cast %add3A_181 : i32 to index
      %get3A_183 = tpu.vector_load %arg9[%get3A_182] {strides = array<i32>} : memref<49984xf32, #tpu.memory_space<vmem>>, vector<16xf32>,
      %add3A_184 = arith.constant 112 : i32
      %add3A_185 = arith.addi %mul3A_123, %add3A_184 : i32
      %get3A_186 = arith.index_cast %add3A_185 : i32 to index
      %get3A_187 = tpu.vector_load %arg9[%get3A_186] {strides = array<i32>} : memref<49984xf32, #tpu.memory_space<vmem>>, vector<16xf32>,
      %shift_left3A_188 = arith.constant 4 : i32
      %shift_left3A_189 = vector.broadcast %shift_left3A_188 : i32 to vector<16xi32>
      %shift_left3A_190 = arith.shli %get3A_127, %shift_left3A_189 : vector<16xi32>
      %sub3A_191 = arith.subi %add3A_39, %shift_left3A_190 : vector<16xi32>
      %shift_left3A_192 = arith.constant 4 : i32
      %shift_left3A_193 = vector.broadcast %shift_left3A_192 : i32 to vector<16xi32>
      %shift_left3A_194 = arith.shli %get3A_131, %shift_left3A_193 : vector<16xi32>
      %sub3A_195 = arith.subi %add3A_39, %shift_left3A_194 : vector<16xi32>
      %shift_left3A_196 = arith.constant 4 : i32
      %shift_left3A_197 = vector.broadcast %shift_left3A_196 : i32 to vector<16xi32>
      %shift_left3A_198 = arith.shli %get3A_135, %shift_left3A_197 : vector<16xi32>
      %sub3A_199 = arith.subi %add3A_39, %shift_left3A_198 : vector<16xi32>
      %shift_left3A_200 = arith.constant 4 : i32
      %shift_left3A_201 = vector.broadcast %shift_left3A_200 : i32 to vector<16xi32>
      %shift_left3A_202 = arith.shli %get3A_139, %shift_left3A_201 : vector<16xi32>
      %sub3A_203 = arith.subi %add3A_39, %shift_left3A_202 : vector<16xi32>
      %shift_left3A_204 = arith.constant 4 : i32
      %shift_left3A_205 = vector.broadcast %shift_left3A_204 : i32 to vector<16xi32>
      %shift_left3A_206 = arith.shli %get3A_143, %shift_left3A_205 : vector<16xi32>
      %sub3A_207 = arith.subi %add3A_39, %shift_left3A_206 : vector<16xi32>
      %shift_left3A_208 = arith.constant 4 : i32
      %shift_left3A_209 = vector.broadcast %shift_left3A_208 : i32 to vector<16xi32>
      %shift_left3A_210 = arith.shli %get3A_147, %shift_left3A_209 : vector<16xi32>
      %sub3A_211 = arith.subi %add3A_39, %shift_left3A_210 : vector<16xi32>
      %shift_left3A_212 = arith.constant 4 : i32
      %shift_left3A_213 = vector.broadcast %shift_left3A_212 : i32 to vector<16xi32>
      %shift_left3A_214 = arith.shli %get3A_151, %shift_left3A_213 : vector<16xi32>
      %sub3A_215 = arith.subi %add3A_39, %shift_left3A_214 : vector<16xi32>
      %shift_left3A_216 = arith.constant 4 : i32
      %shift_left3A_217 = vector.broadcast %shift_left3A_216 : i32 to vector<16xi32>
      %shift_left3A_218 = arith.shli %get3A_155, %shift_left3A_217 : vector<16xi32>
      %sub3A_219 = arith.subi %add3A_39, %shift_left3A_218 : vector<16xi32>
      tpu.vector_store_idx %arg12[%sub3A_191], %get3A_159 {add = true} : memref<1024xf32, #tpu.memory_space<vmem>>[vector<16xi32>], vector<16xf32>,
      tpu.vector_store_idx %arg12[%sub3A_195], %get3A_163 {add = true} : memref<1024xf32, #tpu.memory_space<vmem>>[vector<16xi32>], vector<16xf32>,
      tpu.vector_store_idx %arg12[%sub3A_199], %get3A_167 {add = true} : memref<1024xf32, #tpu.memory_space<vmem>>[vector<16xi32>], vector<16xf32>,
      tpu.vector_store_idx %arg12[%sub3A_203], %get3A_171 {add = true} : memref<1024xf32, #tpu.memory_space<vmem>>[vector<16xi32>], vector<16xf32>,
      tpu.vector_store_idx %arg12[%sub3A_207], %get3A_175 {add = true} : memref<1024xf32, #tpu.memory_space<vmem>>[vector<16xi32>], vector<16xf32>,
      tpu.vector_store_idx %arg12[%sub3A_211], %get3A_179 {add = true} : memref<1024xf32, #tpu.memory_space<vmem>>[vector<16xi32>], vector<16xf32>,
      tpu.vector_store_idx %arg12[%sub3A_215], %get3A_183 {add = true} : memref<1024xf32, #tpu.memory_space<vmem>>[vector<16xi32>], vector<16xf32>,
      tpu.vector_store_idx %arg12[%sub3A_219], %get3A_187 {add = true} : memref<1024xf32, #tpu.memory_space<vmem>>[vector<16xi32>], vector<16xf32>,
      %gather3A_220 = tpu.vector_load_idx %arg13[%sub3A_191] : memref<1024xf32, #tpu.memory_space<vmem>>[vector<16xi32>], vector<16xf32>,
      %gather3A_221 = tpu.vector_load_idx %arg14[%sub3A_195] : memref<1024xf32, #tpu.memory_space<vmem>>[vector<16xi32>], vector<16xf32>,
      %gather3A_222 = tpu.vector_load_idx %arg15[%sub3A_199] : memref<1024xf32, #tpu.memory_space<vmem>>[vector<16xi32>], vector<16xf32>,
      %gather3A_223 = tpu.vector_load_idx %arg16[%sub3A_203] : memref<1024xf32, #tpu.memory_space<vmem>>[vector<16xi32>], vector<16xf32>,
      %gather3A_224 = tpu.vector_load_idx %arg17[%sub3A_207] : memref<1024xf32, #tpu.memory_space<vmem>>[vector<16xi32>], vector<16xf32>,
      %gather3A_225 = tpu.vector_load_idx %arg18[%sub3A_211] : memref<1024xf32, #tpu.memory_space<vmem>>[vector<16xi32>], vector<16xf32>,
      %gather3A_226 = tpu.vector_load_idx %arg19[%sub3A_215] : memref<1024xf32, #tpu.memory_space<vmem>>[vector<16xi32>], vector<16xf32>,
      %gather3A_227 = tpu.vector_load_idx %arg20[%sub3A_219] : memref<1024xf32, #tpu.memory_space<vmem>>[vector<16xi32>], vector<16xf32>,
      %max3A_228 = arith.maximumf %gather3A_220, %get3A_159 : vector<16xf32>
      %max3A_229 = arith.maximumf %gather3A_221, %get3A_163 : vector<16xf32>
      %max3A_230 = arith.maximumf %gather3A_222, %get3A_167 : vector<16xf32>
      %max3A_231 = arith.maximumf %gather3A_223, %get3A_171 : vector<16xf32>
      %max3A_232 = arith.maximumf %gather3A_224, %get3A_175 : vector<16xf32>
      %max3A_233 = arith.maximumf %gather3A_225, %get3A_179 : vector<16xf32>
      %max3A_234 = arith.maximumf %gather3A_226, %get3A_183 : vector<16xf32>
      %max3A_235 = arith.maximumf %gather3A_227, %get3A_187 : vector<16xf32>
      tpu.vector_store_idx %arg13[%sub3A_191], %max3A_228 : memref<1024xf32, #tpu.memory_space<vmem>>[vector<16xi32>], vector<16xf32>,
      tpu.vector_store_idx %arg14[%sub3A_195], %max3A_229 : memref<1024xf32, #tpu.memory_space<vmem>>[vector<16xi32>], vector<16xf32>,
      tpu.vector_store_idx %arg15[%sub3A_199], %max3A_230 : memref<1024xf32, #tpu.memory_space<vmem>>[vector<16xi32>], vector<16xf32>,
      tpu.vector_store_idx %arg16[%sub3A_203], %max3A_231 : memref<1024xf32, #tpu.memory_space<vmem>>[vector<16xi32>], vector<16xf32>,
      tpu.vector_store_idx %arg17[%sub3A_207], %max3A_232 : memref<1024xf32, #tpu.memory_space<vmem>>[vector<16xi32>], vector<16xf32>,
      tpu.vector_store_idx %arg18[%sub3A_211], %max3A_233 : memref<1024xf32, #tpu.memory_space<vmem>>[vector<16xi32>], vector<16xf32>,
      tpu.vector_store_idx %arg19[%sub3A_215], %max3A_234 : memref<1024xf32, #tpu.memory_space<vmem>>[vector<16xi32>], vector<16xf32>,
      tpu.vector_store_idx %arg20[%sub3A_219], %max3A_235 : memref<1024xf32, #tpu.memory_space<vmem>>[vector<16xi32>], vector<16xf32>,
    }
    %scan3A_55 = arith.constant 195 : i32
    %dma_wait3A_56 = arith.constant 24960 : i32
    %dma_wait3A_57 = tpu.memref_slice %arg8[%dma_wait3A_56] : memref<49984xi32, #tpu.memory_space<vmem>> -> memref<25024xi32, #tpu.memory_space<vmem>>
    %dma_wait3A_58 = tpu.memref_slice %arg2[%add3A_15] : memref<1599488xi32, #tpu.memory_space<hbm>> -> memref<25024xi32, #tpu.memory_space<hbm>>
    %dma_wait3A_59 = arith.constant 24960 : i32
    %dma_wait3A_60 = tpu.memref_slice %arg8[%dma_wait3A_59] : memref<49984xi32, #tpu.memory_space<vmem>> -> memref<25024xi32, #tpu.memory_space<vmem>>
    %dma_wait3A_61 = tpu.memref_slice %arg2[%add3A_15] : memref<1599488xi32, #tpu.memory_space<hbm>> -> memref<25024xi32, #tpu.memory_space<hbm>>
    tpu.wait_dma2 semaphore(%arg23 : memref<!tpu.dma_semaphore, #tpu.memory_space<semaphore_mem>>) src(%dma_wait3A_61 : memref<25024xi32, #tpu.memory_space<hbm>>) dst(%dma_wait3A_60 : memref<25024xi32, #tpu.memory_space<vmem>>)
    %dma_wait3A_62 = arith.constant 24960 : i32
    %dma_wait3A_63 = tpu.memref_slice %arg9[%dma_wait3A_62] : memref<49984xf32, #tpu.memory_space<vmem>> -> memref<25024xf32, #tpu.memory_space<vmem>>
    %dma_wait3A_64 = tpu.memref_slice %arg3[%add3A_23] : memref<1599488xf32, #tpu.memory_space<hbm>> -> memref<25024xf32, #tpu.memory_space<hbm>>
    %dma_wait3A_65 = arith.constant 24960 : i32
    %dma_wait3A_66 = tpu.memref_slice %arg9[%dma_wait3A_65] : memref<49984xf32, #tpu.memory_space<vmem>> -> memref<25024xf32, #tpu.memory_space<vmem>>
    %dma_wait3A_67 = tpu.memref_slice %arg3[%add3A_23] : memref<1599488xf32, #tpu.memory_space<hbm>> -> memref<25024xf32, #tpu.memory_space<hbm>>
    tpu.wait_dma2 semaphore(%arg24 : memref<!tpu.dma_semaphore, #tpu.memory_space<semaphore_mem>>) src(%dma_wait3A_67 : memref<25024xf32, #tpu.memory_space<hbm>>) dst(%dma_wait3A_66 : memref<25024xf32, #tpu.memory_space<vmem>>)
    %scan3A_68 = arith.constant 0 : i32
    %scan3A_69 = arith.constant 195 : i32
    %scan3A_70 = arith.addi %scan3A_68, %scan3A_69 : i32
    %scan3A_71 = arith.constant 1 : i32
    scf.for %scan3A_119 = %scan3A_68 to %scan3A_70 step %scan3A_71  : i32 {
      %mul3A_120 = arith.constant 8 : i32
      %mul3A_121 = arith.muli %scan3A_119, %mul3A_120 : i32
      %add3A_122 = arith.constant 1560 : i32
      %add3A_123 = arith.addi %add3A_122, %mul3A_121 : i32
      %mul3A_124 = arith.constant 16 : i32
      %mul3A_125 = arith.muli %add3A_123, %mul3A_124 : i32
      %add3A_126 = arith.constant 0 : i32
      %add3A_127 = arith.addi %mul3A_125, %add3A_126 : i32
      %get3A_128 = arith.index_cast %add3A_127 : i32 to index
      %get3A_129 = tpu.vector_load %arg8[%get3A_128] {strides = array<i32>} : memref<49984xi32, #tpu.memory_space<vmem>>, vector<16xi32>,
      %add3A_130 = arith.constant 16 : i32
      %add3A_131 = arith.addi %mul3A_125, %add3A_130 : i32
      %get3A_132 = arith.index_cast %add3A_131 : i32 to index
      %get3A_133 = tpu.vector_load %arg8[%get3A_132] {strides = array<i32>} : memref<49984xi32, #tpu.memory_space<vmem>>, vector<16xi32>,
      %add3A_134 = arith.constant 32 : i32
      %add3A_135 = arith.addi %mul3A_125, %add3A_134 : i32
      %get3A_136 = arith.index_cast %add3A_135 : i32 to index
      %get3A_137 = tpu.vector_load %arg8[%get3A_136] {strides = array<i32>} : memref<49984xi32, #tpu.memory_space<vmem>>, vector<16xi32>,
      %add3A_138 = arith.constant 48 : i32
      %add3A_139 = arith.addi %mul3A_125, %add3A_138 : i32
      %get3A_140 = arith.index_cast %add3A_139 : i32 to index
      %get3A_141 = tpu.vector_load %arg8[%get3A_140] {strides = array<i32>} : memref<49984xi32, #tpu.memory_space<vmem>>, vector<16xi32>,
      %add3A_142 = arith.constant 64 : i32
      %add3A_143 = arith.addi %mul3A_125, %add3A_142 : i32
      %get3A_144 = arith.index_cast %add3A_143 : i32 to index
      %get3A_145 = tpu.vector_load %arg8[%get3A_144] {strides = array<i32>} : memref<49984xi32, #tpu.memory_space<vmem>>, vector<16xi32>,
      %add3A_146 = arith.constant 80 : i32
      %add3A_147 = arith.addi %mul3A_125, %add3A_146 : i32
      %get3A_148 = arith.index_cast %add3A_147 : i32 to index
      %get3A_149 = tpu.vector_load %arg8[%get3A_148] {strides = array<i32>} : memref<49984xi32, #tpu.memory_space<vmem>>, vector<16xi32>,
      %add3A_150 = arith.constant 96 : i32
      %add3A_151 = arith.addi %mul3A_125, %add3A_150 : i32
      %get3A_152 = arith.index_cast %add3A_151 : i32 to index
      %get3A_153 = tpu.vector_load %arg8[%get3A_152] {strides = array<i32>} : memref<49984xi32, #tpu.memory_space<vmem>>, vector<16xi32>,
      %add3A_154 = arith.constant 112 : i32
      %add3A_155 = arith.addi %mul3A_125, %add3A_154 : i32
      %get3A_156 = arith.index_cast %add3A_155 : i32 to index
      %get3A_157 = tpu.vector_load %arg8[%get3A_156] {strides = array<i32>} : memref<49984xi32, #tpu.memory_space<vmem>>, vector<16xi32>,
      %add3A_158 = arith.constant 0 : i32
      %add3A_159 = arith.addi %mul3A_125, %add3A_158 : i32
      %get3A_160 = arith.index_cast %add3A_159 : i32 to index
      %get3A_161 = tpu.vector_load %arg9[%get3A_160] {strides = array<i32>} : memref<49984xf32, #tpu.memory_space<vmem>>, vector<16xf32>,
      %add3A_162 = arith.constant 16 : i32
      %add3A_163 = arith.addi %mul3A_125, %add3A_162 : i32
      %get3A_164 = arith.index_cast %add3A_163 : i32 to index
      %get3A_165 = tpu.vector_load %arg9[%get3A_164] {strides = array<i32>} : memref<49984xf32, #tpu.memory_space<vmem>>, vector<16xf32>,
      %add3A_166 = arith.constant 32 : i32
      %add3A_167 = arith.addi %mul3A_125, %add3A_166 : i32
      %get3A_168 = arith.index_cast %add3A_167 : i32 to index
      %get3A_169 = tpu.vector_load %arg9[%get3A_168] {strides = array<i32>} : memref<49984xf32, #tpu.memory_space<vmem>>, vector<16xf32>,
      %add3A_170 = arith.constant 48 : i32
      %add3A_171 = arith.addi %mul3A_125, %add3A_170 : i32
      %get3A_172 = arith.index_cast %add3A_171 : i32 to index
      %get3A_173 = tpu.vector_load %arg9[%get3A_172] {strides = array<i32>} : memref<49984xf32, #tpu.memory_space<vmem>>, vector<16xf32>,
      %add3A_174 = arith.constant 64 : i32
      %add3A_175 = arith.addi %mul3A_125, %add3A_174 : i32
      %get3A_176 = arith.index_cast %add3A_175 : i32 to index
      %get3A_177 = tpu.vector_load %arg9[%get3A_176] {strides = array<i32>} : memref<49984xf32, #tpu.memory_space<vmem>>, vector<16xf32>,
      %add3A_178 = arith.constant 80 : i32
      %add3A_179 = arith.addi %mul3A_125, %add3A_178 : i32
      %get3A_180 = arith.index_cast %add3A_179 : i32 to index
      %get3A_181 = tpu.vector_load %arg9[%get3A_180] {strides = array<i32>} : memref<49984xf32, #tpu.memory_space<vmem>>, vector<16xf32>,
      %add3A_182 = arith.constant 96 : i32
      %add3A_183 = arith.addi %mul3A_125, %add3A_182 : i32
      %get3A_184 = arith.index_cast %add3A_183 : i32 to index
      %get3A_185 = tpu.vector_load %arg9[%get3A_184] {strides = array<i32>} : memref<49984xf32, #tpu.memory_space<vmem>>, vector<16xf32>,
      %add3A_186 = arith.constant 112 : i32
      %add3A_187 = arith.addi %mul3A_125, %add3A_186 : i32
      %get3A_188 = arith.index_cast %add3A_187 : i32 to index
      %get3A_189 = tpu.vector_load %arg9[%get3A_188] {strides = array<i32>} : memref<49984xf32, #tpu.memory_space<vmem>>, vector<16xf32>,
      %shift_left3A_190 = arith.constant 4 : i32
      %shift_left3A_191 = vector.broadcast %shift_left3A_190 : i32 to vector<16xi32>
      %shift_left3A_192 = arith.shli %get3A_129, %shift_left3A_191 : vector<16xi32>
      %sub3A_193 = arith.subi %add3A_39, %shift_left3A_192 : vector<16xi32>
      %shift_left3A_194 = arith.constant 4 : i32
      %shift_left3A_195 = vector.broadcast %shift_left3A_194 : i32 to vector<16xi32>
      %shift_left3A_196 = arith.shli %get3A_133, %shift_left3A_195 : vector<16xi32>
      %sub3A_197 = arith.subi %add3A_39, %shift_left3A_196 : vector<16xi32>
      %shift_left3A_198 = arith.constant 4 : i32
      %shift_left3A_199 = vector.broadcast %shift_left3A_198 : i32 to vector<16xi32>
      %shift_left3A_200 = arith.shli %get3A_137, %shift_left3A_199 : vector<16xi32>
      %sub3A_201 = arith.subi %add3A_39, %shift_left3A_200 : vector<16xi32>
      %shift_left3A_202 = arith.constant 4 : i32
      %shift_left3A_203 = vector.broadcast %shift_left3A_202 : i32 to vector<16xi32>
      %shift_left3A_204 = arith.shli %get3A_141, %shift_left3A_203 : vector<16xi32>
      %sub3A_205 = arith.subi %add3A_39, %shift_left3A_204 : vector<16xi32>
      %shift_left3A_206 = arith.constant 4 : i32
      %shift_left3A_207 = vector.broadcast %shift_left3A_206 : i32 to vector<16xi32>
      %shift_left3A_208 = arith.shli %get3A_145, %shift_left3A_207 : vector<16xi32>
      %sub3A_209 = arith.subi %add3A_39, %shift_left3A_208 : vector<16xi32>
      %shift_left3A_210 = arith.constant 4 : i32
      %shift_left3A_211 = vector.broadcast %shift_left3A_210 : i32 to vector<16xi32>
      %shift_left3A_212 = arith.shli %get3A_149, %shift_left3A_211 : vector<16xi32>
      %sub3A_213 = arith.subi %add3A_39, %shift_left3A_212 : vector<16xi32>
      %shift_left3A_214 = arith.constant 4 : i32
      %shift_left3A_215 = vector.broadcast %shift_left3A_214 : i32 to vector<16xi32>
      %shift_left3A_216 = arith.shli %get3A_153, %shift_left3A_215 : vector<16xi32>
      %sub3A_217 = arith.subi %add3A_39, %shift_left3A_216 : vector<16xi32>
      %shift_left3A_218 = arith.constant 4 : i32
      %shift_left3A_219 = vector.broadcast %shift_left3A_218 : i32 to vector<16xi32>
      %shift_left3A_220 = arith.shli %get3A_157, %shift_left3A_219 : vector<16xi32>
      %sub3A_221 = arith.subi %add3A_39, %shift_left3A_220 : vector<16xi32>
      tpu.vector_store_idx %arg12[%sub3A_193], %get3A_161 {add = true} : memref<1024xf32, #tpu.memory_space<vmem>>[vector<16xi32>], vector<16xf32>,
      tpu.vector_store_idx %arg12[%sub3A_197], %get3A_165 {add = true} : memref<1024xf32, #tpu.memory_space<vmem>>[vector<16xi32>], vector<16xf32>,
      tpu.vector_store_idx %arg12[%sub3A_201], %get3A_169 {add = true} : memref<1024xf32, #tpu.memory_space<vmem>>[vector<16xi32>], vector<16xf32>,
      tpu.vector_store_idx %arg12[%sub3A_205], %get3A_173 {add = true} : memref<1024xf32, #tpu.memory_space<vmem>>[vector<16xi32>], vector<16xf32>,
      tpu.vector_store_idx %arg12[%sub3A_209], %get3A_177 {add = true} : memref<1024xf32, #tpu.memory_space<vmem>>[vector<16xi32>], vector<16xf32>,
      tpu.vector_store_idx %arg12[%sub3A_213], %get3A_181 {add = true} : memref<1024xf32, #tpu.memory_space<vmem>>[vector<16xi32>], vector<16xf32>,
      tpu.vector_store_idx %arg12[%sub3A_217], %get3A_185 {add = true} : memref<1024xf32, #tpu.memory_space<vmem>>[vector<16xi32>], vector<16xf32>,
      tpu.vector_store_idx %arg12[%sub3A_221], %get3A_189 {add = true} : memref<1024xf32, #tpu.memory_space<vmem>>[vector<16xi32>], vector<16xf32>,
      %gather3A_222 = tpu.vector_load_idx %arg13[%sub3A_193] : memref<1024xf32, #tpu.memory_space<vmem>>[vector<16xi32>], vector<16xf32>,
      %gather3A_223 = tpu.vector_load_idx %arg14[%sub3A_197] : memref<1024xf32, #tpu.memory_space<vmem>>[vector<16xi32>], vector<16xf32>,
      %gather3A_224 = tpu.vector_load_idx %arg15[%sub3A_201] : memref<1024xf32, #tpu.memory_space<vmem>>[vector<16xi32>], vector<16xf32>,
      %gather3A_225 = tpu.vector_load_idx %arg16[%sub3A_205] : memref<1024xf32, #tpu.memory_space<vmem>>[vector<16xi32>], vector<16xf32>,
      %gather3A_226 = tpu.vector_load_idx %arg17[%sub3A_209] : memref<1024xf32, #tpu.memory_space<vmem>>[vector<16xi32>], vector<16xf32>,
      %gather3A_227 = tpu.vector_load_idx %arg18[%sub3A_213] : memref<1024xf32, #tpu.memory_space<vmem>>[vector<16xi32>], vector<16xf32>,
      %gather3A_228 = tpu.vector_load_idx %arg19[%sub3A_217] : memref<1024xf32, #tpu.memory_space<vmem>>[vector<16xi32>], vector<16xf32>,
      %gather3A_229 = tpu.vector_load_idx %arg20[%sub3A_221] : memref<1024xf32, #tpu.memory_space<vmem>>[vector<16xi32>], vector<16xf32>,
      %max3A_230 = arith.maximumf %gather3A_222, %get3A_161 : vector<16xf32>
      %max3A_231 = arith.maximumf %gather3A_223, %get3A_165 : vector<16xf32>
      %max3A_232 = arith.maximumf %gather3A_224, %get3A_169 : vector<16xf32>
      %max3A_233 = arith.maximumf %gather3A_225, %get3A_173 : vector<16xf32>
      %max3A_234 = arith.maximumf %gather3A_226, %get3A_177 : vector<16xf32>
      %max3A_235 = arith.maximumf %gather3A_227, %get3A_181 : vector<16xf32>
      %max3A_236 = arith.maximumf %gather3A_228, %get3A_185 : vector<16xf32>
      %max3A_237 = arith.maximumf %gather3A_229, %get3A_189 : vector<16xf32>
      tpu.vector_store_idx %arg13[%sub3A_193], %max3A_230 : memref<1024xf32, #tpu.memory_space<vmem>>[vector<16xi32>], vector<16xf32>,
      tpu.vector_store_idx %arg14[%sub3A_197], %max3A_231 : memref<1024xf32, #tpu.memory_space<vmem>>[vector<16xi32>], vector<16xf32>,
      tpu.vector_store_idx %arg15[%sub3A_201], %max3A_232 : memref<1024xf32, #tpu.memory_space<vmem>>[vector<16xi32>], vector<16xf32>,
      tpu.vector_store_idx %arg16[%sub3A_205], %max3A_233 : memref<1024xf32, #tpu.memory_space<vmem>>[vector<16xi32>], vector<16xf32>,
      tpu.vector_store_idx %arg17[%sub3A_209], %max3A_234 : memref<1024xf32, #tpu.memory_space<vmem>>[vector<16xi32>], vector<16xf32>,
      tpu.vector_store_idx %arg18[%sub3A_213], %max3A_235 : memref<1024xf32, #tpu.memory_space<vmem>>[vector<16xi32>], vector<16xf32>,
      tpu.vector_store_idx %arg19[%sub3A_217], %max3A_236 : memref<1024xf32, #tpu.memory_space<vmem>>[vector<16xi32>], vector<16xf32>,
      tpu.vector_store_idx %arg20[%sub3A_221], %max3A_237 : memref<1024xf32, #tpu.memory_space<vmem>>[vector<16xi32>], vector<16xf32>,
    }
    %scan3A_72 = arith.constant 195 : i32
    %get3A = arith.constant 49920 : index
    %get3A_73 = tpu.vector_load %arg8[%get3A] {strides = array<i32>} : memref<49984xi32, #tpu.memory_space<vmem>>, vector<16xi32>,
    %get3A_74 = arith.constant 49936 : index
    %get3A_75 = tpu.vector_load %arg8[%get3A_74] {strides = array<i32>} : memref<49984xi32, #tpu.memory_space<vmem>>, vector<16xi32>,
    %get3A_76 = arith.constant 49952 : index
    %get3A_77 = tpu.vector_load %arg8[%get3A_76] {strides = array<i32>} : memref<49984xi32, #tpu.memory_space<vmem>>, vector<16xi32>,
    %get3A_78 = arith.constant 49968 : index
    %get3A_79 = tpu.vector_load %arg8[%get3A_78] {strides = array<i32>} : memref<49984xi32, #tpu.memory_space<vmem>>, vector<16xi32>,
    %get3A_80 = arith.constant 49920 : index
    %get3A_81 = tpu.vector_load %arg9[%get3A_80] {strides = array<i32>} : memref<49984xf32, #tpu.memory_space<vmem>>, vector<16xf32>,
    %get3A_82 = arith.constant 49936 : index
    %get3A_83 = tpu.vector_load %arg9[%get3A_82] {strides = array<i32>} : memref<49984xf32, #tpu.memory_space<vmem>>, vector<16xf32>,
    %get3A_84 = arith.constant 49952 : index
    %get3A_85 = tpu.vector_load %arg9[%get3A_84] {strides = array<i32>} : memref<49984xf32, #tpu.memory_space<vmem>>, vector<16xf32>,
    %get3A_86 = arith.constant 49968 : index
    %get3A_87 = tpu.vector_load %arg9[%get3A_86] {strides = array<i32>} : memref<49984xf32, #tpu.memory_space<vmem>>, vector<16xf32>,
    %shift_left3A = arith.constant 4 : i32
    %shift_left3A_88 = vector.broadcast %shift_left3A : i32 to vector<16xi32>
    %shift_left3A_89 = arith.shli %get3A_73, %shift_left3A_88 : vector<16xi32>
    %sub3A = arith.subi %add3A_39, %shift_left3A_89 : vector<16xi32>
    %shift_left3A_90 = arith.constant 4 : i32
    %shift_left3A_91 = vector.broadcast %shift_left3A_90 : i32 to vector<16xi32>
    %shift_left3A_92 = arith.shli %get3A_75, %shift_left3A_91 : vector<16xi32>
    %sub3A_93 = arith.subi %add3A_39, %shift_left3A_92 : vector<16xi32>
    %shift_left3A_94 = arith.constant 4 : i32
    %shift_left3A_95 = vector.broadcast %shift_left3A_94 : i32 to vector<16xi32>
    %shift_left3A_96 = arith.shli %get3A_77, %shift_left3A_95 : vector<16xi32>
    %sub3A_97 = arith.subi %add3A_39, %shift_left3A_96 : vector<16xi32>
    %shift_left3A_98 = arith.constant 4 : i32
    %shift_left3A_99 = vector.broadcast %shift_left3A_98 : i32 to vector<16xi32>
    %shift_left3A_100 = arith.shli %get3A_79, %shift_left3A_99 : vector<16xi32>
    %sub3A_101 = arith.subi %add3A_39, %shift_left3A_100 : vector<16xi32>
    tpu.vector_store_idx %arg12[%sub3A], %get3A_81 {add = true} : memref<1024xf32, #tpu.memory_space<vmem>>[vector<16xi32>], vector<16xf32>,
    tpu.vector_store_idx %arg12[%sub3A_93], %get3A_83 {add = true} : memref<1024xf32, #tpu.memory_space<vmem>>[vector<16xi32>], vector<16xf32>,
    tpu.vector_store_idx %arg12[%sub3A_97], %get3A_85 {add = true} : memref<1024xf32, #tpu.memory_space<vmem>>[vector<16xi32>], vector<16xf32>,
    tpu.vector_store_idx %arg12[%sub3A_101], %get3A_87 {add = true} : memref<1024xf32, #tpu.memory_space<vmem>>[vector<16xi32>], vector<16xf32>,
    %gather3A = tpu.vector_load_idx %arg13[%sub3A] : memref<1024xf32, #tpu.memory_space<vmem>>[vector<16xi32>], vector<16xf32>,
    %gather3A_102 = tpu.vector_load_idx %arg14[%sub3A_93] : memref<1024xf32, #tpu.memory_space<vmem>>[vector<16xi32>], vector<16xf32>,
    %gather3A_103 = tpu.vector_load_idx %arg15[%sub3A_97] : memref<1024xf32, #tpu.memory_space<vmem>>[vector<16xi32>], vector<16xf32>,
    %gather3A_104 = tpu.vector_load_idx %arg16[%sub3A_101] : memref<1024xf32, #tpu.memory_space<vmem>>[vector<16xi32>], vector<16xf32>,
    %max3A = arith.maximumf %gather3A, %get3A_81 : vector<16xf32>
    %max3A_105 = arith.maximumf %gather3A_102, %get3A_83 : vector<16xf32>
    %max3A_106 = arith.maximumf %gather3A_103, %get3A_85 : vector<16xf32>
    %max3A_107 = arith.maximumf %gather3A_104, %get3A_87 : vector<16xf32>
    tpu.vector_store_idx %arg13[%sub3A], %max3A : memref<1024xf32, #tpu.memory_space<vmem>>[vector<16xi32>], vector<16xf32>,
    tpu.vector_store_idx %arg14[%sub3A_93], %max3A_105 : memref<1024xf32, #tpu.memory_space<vmem>>[vector<16xi32>], vector<16xf32>,
    tpu.vector_store_idx %arg15[%sub3A_97], %max3A_106 : memref<1024xf32, #tpu.memory_space<vmem>>[vector<16xi32>], vector<16xf32>,
    tpu.vector_store_idx %arg16[%sub3A_101], %max3A_107 : memref<1024xf32, #tpu.memory_space<vmem>>[vector<16xi32>], vector<16xf32>,
    %eq3A = arith.constant 0 : i32
    %eq3A_108 = arith.cmpi eq, %add3A, %eq3A : i32
    %convert_element_type3A = arith.extui %eq3A_108 : i1 to i32
    %cond3A = arith.constant 0 : i32
    %cond3A_109 = arith.cmpi ne, %convert_element_type3A, %cond3A : i32
    scf.if %cond3A_109 {
      "tpu.region"() ({
        %run_scoped3A = tpu.sem_alloc : memref<!tpu.dma_semaphore, #tpu.memory_space<semaphore_mem>>
        tpu.enqueue_dma source(%arg4 : memref<512xi32, #tpu.memory_space<hbm>>) target(%arg10 : memref<512xi32, #tpu.memory_space<vmem>>) target_semaphore(%run_scoped3A : memref<!tpu.dma_semaphore, #tpu.memory_space<semaphore_mem>>)
        tpu.wait_dma2 semaphore(%run_scoped3A : memref<!tpu.dma_semaphore, #tpu.memory_space<semaphore_mem>>) src(%arg4 : memref<512xi32, #tpu.memory_space<hbm>>) dst(%arg10 : memref<512xi32, #tpu.memory_space<vmem>>)
        tpu.yield
      }) : () -> ()
      "tpu.region"() ({
        %run_scoped3A = tpu.sem_alloc : memref<!tpu.dma_semaphore, #tpu.memory_space<semaphore_mem>>
        tpu.enqueue_dma source(%arg5 : memref<512xf32, #tpu.memory_space<hbm>>) target(%arg11 : memref<512xf32, #tpu.memory_space<vmem>>) target_semaphore(%run_scoped3A : memref<!tpu.dma_semaphore, #tpu.memory_space<semaphore_mem>>)
        tpu.wait_dma2 semaphore(%run_scoped3A : memref<!tpu.dma_semaphore, #tpu.memory_space<semaphore_mem>>) src(%arg5 : memref<512xf32, #tpu.memory_space<hbm>>) dst(%arg11 : memref<512xf32, #tpu.memory_space<vmem>>)
        tpu.yield
      }) : () -> ()
      %scan3A_119 = arith.constant 0 : i32
      %scan3A_120 = arith.constant 32 : i32
      %scan3A_121 = arith.addi %scan3A_119, %scan3A_120 : i32
      %scan3A_122 = arith.constant 1 : i32
      scf.for %scan3A_124 = %scan3A_119 to %scan3A_121 step %scan3A_122  : i32 {
        %mul3A_125 = arith.constant 16 : i32
        %mul3A_126 = arith.muli %scan3A_124, %mul3A_125 : i32
        %get3A_127 = arith.index_cast %mul3A_126 : i32 to index
        %get3A_128 = tpu.vector_load %arg10[%get3A_127] {strides = array<i32>} : memref<512xi32, #tpu.memory_space<vmem>>, vector<16xi32>,
        %get3A_129 = arith.index_cast %mul3A_126 : i32 to index
        %get3A_130 = tpu.vector_load %arg11[%get3A_129] {strides = array<i32>} : memref<512xf32, #tpu.memory_space<vmem>>, vector<16xf32>,
        %shift_left3A_131 = arith.constant 4 : i32
        %shift_left3A_132 = vector.broadcast %shift_left3A_131 : i32 to vector<16xi32>
        %shift_left3A_133 = arith.shli %get3A_128, %shift_left3A_132 : vector<16xi32>
        %sub3A_134 = arith.subi %add3A_39, %shift_left3A_133 : vector<16xi32>
        tpu.vector_store_idx %arg12[%sub3A_134], %get3A_130 {add = true} : memref<1024xf32, #tpu.memory_space<vmem>>[vector<16xi32>], vector<16xf32>,
        %gather3A_135 = tpu.vector_load_idx %arg13[%sub3A_134] : memref<1024xf32, #tpu.memory_space<vmem>>[vector<16xi32>], vector<16xf32>,
        %max3A_136 = arith.maximumf %gather3A_135, %get3A_130 : vector<16xf32>
        tpu.vector_store_idx %arg13[%sub3A_134], %max3A_136 : memref<1024xf32, #tpu.memory_space<vmem>>[vector<16xi32>], vector<16xf32>,
      }
      %scan3A_123 = arith.constant 32 : i32
    } else {
    }
    %scan3A_110 = arith.constant 0 : i32
    %scan3A_111 = arith.constant 64 : i32
    %scan3A_112 = arith.addi %scan3A_110, %scan3A_111 : i32
    %scan3A_113 = arith.constant 1 : i32
    scf.for %scan3A_119 = %scan3A_110 to %scan3A_112 step %scan3A_113  : i32 {
      %mul3A_120 = arith.constant 16 : i32
      %mul3A_121 = arith.muli %scan3A_119, %mul3A_120 : i32
      %get3A_122 = arith.index_cast %mul3A_121 : i32 to index
      %get3A_123 = tpu.vector_load %arg13[%get3A_122] {strides = array<i32>} : memref<1024xf32, #tpu.memory_space<vmem>>, vector<16xf32>,
      %get3A_124 = arith.index_cast %mul3A_121 : i32 to index
      %get3A_125 = tpu.vector_load %arg14[%get3A_124] {strides = array<i32>} : memref<1024xf32, #tpu.memory_space<vmem>>, vector<16xf32>,
      %get3A_126 = arith.index_cast %mul3A_121 : i32 to index
      %get3A_127 = tpu.vector_load %arg15[%get3A_126] {strides = array<i32>} : memref<1024xf32, #tpu.memory_space<vmem>>, vector<16xf32>,
      %get3A_128 = arith.index_cast %mul3A_121 : i32 to index
      %get3A_129 = tpu.vector_load %arg16[%get3A_128] {strides = array<i32>} : memref<1024xf32, #tpu.memory_space<vmem>>, vector<16xf32>,
      %get3A_130 = arith.index_cast %mul3A_121 : i32 to index
      %get3A_131 = tpu.vector_load %arg17[%get3A_130] {strides = array<i32>} : memref<1024xf32, #tpu.memory_space<vmem>>, vector<16xf32>,
      %get3A_132 = arith.index_cast %mul3A_121 : i32 to index
      %get3A_133 = tpu.vector_load %arg18[%get3A_132] {strides = array<i32>} : memref<1024xf32, #tpu.memory_space<vmem>>, vector<16xf32>,
      %get3A_134 = arith.index_cast %mul3A_121 : i32 to index
      %get3A_135 = tpu.vector_load %arg19[%get3A_134] {strides = array<i32>} : memref<1024xf32, #tpu.memory_space<vmem>>, vector<16xf32>,
      %get3A_136 = arith.index_cast %mul3A_121 : i32 to index
      %get3A_137 = tpu.vector_load %arg20[%get3A_136] {strides = array<i32>} : memref<1024xf32, #tpu.memory_space<vmem>>, vector<16xf32>,
      %max3A_138 = arith.maximumf %get3A_123, %get3A_125 : vector<16xf32>
      %max3A_139 = arith.maximumf %get3A_127, %get3A_129 : vector<16xf32>
      %max3A_140 = arith.maximumf %get3A_131, %get3A_133 : vector<16xf32>
      %max3A_141 = arith.maximumf %get3A_135, %get3A_137 : vector<16xf32>
      %max3A_142 = arith.maximumf %max3A_138, %max3A_139 : vector<16xf32>
      %max3A_143 = arith.maximumf %max3A_140, %max3A_141 : vector<16xf32>
      %max3A_144 = arith.maximumf %max3A_142, %max3A_143 : vector<16xf32>
      %swap3A = arith.index_cast %mul3A_121 : i32 to index
      %swap3A_145 = tpu.vector_load %arg13[%swap3A] {strides = array<i32>} : memref<1024xf32, #tpu.memory_space<vmem>>, vector<16xf32>,
      tpu.vector_store %arg13[%swap3A], %max3A_144 {strides = array<i32>} : memref<1024xf32, #tpu.memory_space<vmem>>, vector<16xf32>,
    }
    %scan3A_114 = arith.constant 64 : i32
    %mul3A_115 = arith.constant 1024 : i32
    %mul3A_116 = arith.muli %add3A, %mul3A_115 : i32
    "tpu.region"() ({
      %run_scoped3A = tpu.sem_alloc : memref<!tpu.dma_semaphore, #tpu.memory_space<semaphore_mem>>
      %dma_start3A_119 = tpu.memref_slice %arg6[%mul3A_116] : memref<32768xf32, #tpu.memory_space<hbm>> -> memref<1024xf32, #tpu.memory_space<hbm>>
      %dma_start3A_120 = tpu.memref_slice %arg6[%mul3A_116] : memref<32768xf32, #tpu.memory_space<hbm>> -> memref<1024xf32, #tpu.memory_space<hbm>>
      tpu.enqueue_dma source(%arg12 : memref<1024xf32, #tpu.memory_space<vmem>>) target(%dma_start3A_120 : memref<1024xf32, #tpu.memory_space<hbm>>) target_semaphore(%run_scoped3A : memref<!tpu.dma_semaphore, #tpu.memory_space<semaphore_mem>>)
      %dma_wait3A_121 = tpu.memref_slice %arg6[%mul3A_116] : memref<32768xf32, #tpu.memory_space<hbm>> -> memref<1024xf32, #tpu.memory_space<hbm>>
      %dma_wait3A_122 = tpu.memref_slice %arg6[%mul3A_116] : memref<32768xf32, #tpu.memory_space<hbm>> -> memref<1024xf32, #tpu.memory_space<hbm>>
      tpu.wait_dma2 semaphore(%run_scoped3A : memref<!tpu.dma_semaphore, #tpu.memory_space<semaphore_mem>>) src(%arg12 : memref<1024xf32, #tpu.memory_space<vmem>>) dst(%dma_wait3A_122 : memref<1024xf32, #tpu.memory_space<hbm>>)
      tpu.yield
    }) : () -> ()
    %mul3A_117 = arith.constant 1024 : i32
    %mul3A_118 = arith.muli %add3A, %mul3A_117 : i32
    "tpu.region"() ({
      %run_scoped3A = tpu.sem_alloc : memref<!tpu.dma_semaphore, #tpu.memory_space<semaphore_mem>>
      %dma_start3A_119 = tpu.memref_slice %arg7[%mul3A_118] : memref<32768xf32, #tpu.memory_space<hbm>> -> memref<1024xf32, #tpu.memory_space<hbm>>
      %dma_start3A_120 = tpu.memref_slice %arg7[%mul3A_118] : memref<32768xf32, #tpu.memory_space<hbm>> -> memref<1024xf32, #tpu.memory_space<hbm>>
      tpu.enqueue_dma source(%arg13 : memref<1024xf32, #tpu.memory_space<vmem>>) target(%dma_start3A_120 : memref<1024xf32, #tpu.memory_space<hbm>>) target_semaphore(%run_scoped3A : memref<!tpu.dma_semaphore, #tpu.memory_space<semaphore_mem>>)
      %dma_wait3A_121 = tpu.memref_slice %arg7[%mul3A_118] : memref<32768xf32, #tpu.memory_space<hbm>> -> memref<1024xf32, #tpu.memory_space<hbm>>
      %dma_wait3A_122 = tpu.memref_slice %arg7[%mul3A_118] : memref<32768xf32, #tpu.memory_space<hbm>> -> memref<1024xf32, #tpu.memory_space<hbm>>
      tpu.wait_dma2 semaphore(%run_scoped3A : memref<!tpu.dma_semaphore, #tpu.memory_space<semaphore_mem>>) src(%arg13 : memref<1024xf32, #tpu.memory_space<vmem>>) dst(%dma_wait3A_122 : memref<1024xf32, #tpu.memory_space<hbm>>)
      tpu.yield
    }) : () -> ()
    return
  }
}

module attributes {stable_mosaic.version = 14 : i64} {
  func.func @_combine_body(%arg0: memref<256x128xf32, #tpu.memory_space<vmem>>, %arg1: memref<256x128xf32, #tpu.memory_space<vmem>>, %arg2: memref<32x128xf32, #tpu.memory_space<vmem>>, %arg3: memref<32x128xf32, #tpu.memory_space<vmem>>) attributes {dimension_semantics = [], scalar_prefetch = 0 : i64, scratch_operands = 0 : i64, tpu.core_type = #tpu.core_type<tc>} {
    %get3A = arith.constant 0 : index
    %get3A_0 = arith.constant 0 : index
    %get3A_1 = vector.load %arg0[%get3A, %get3A_0] : memref<256x128xf32, #tpu.memory_space<vmem>>, vector<256x128xf32>
    %reshape3A = vector.shape_cast %get3A_1 : vector<256x128xf32> to vector<32x8x128xf32>
    %get3A_2 = arith.constant 0 : index
    %get3A_3 = arith.constant 0 : index
    %get3A_4 = vector.load %arg1[%get3A_2, %get3A_3] : memref<256x128xf32, #tpu.memory_space<vmem>>, vector<256x128xf32>
    %reshape3A_5 = vector.shape_cast %get3A_4 : vector<256x128xf32> to vector<32x8x128xf32>
    %reduce_sum3A = arith.constant dense<0.000000e+00> : vector<8x128xf32>
    %reduce_sum3A_6 = vector.multi_reduction <add>, %reshape3A, %reduce_sum3A [0] : vector<32x8x128xf32> to vector<8x128xf32>
    %reduce_max3A = arith.constant dense<0xFF800000> : vector<8x128xf32>
    %reduce_max3A_7 = vector.multi_reduction <maximumf>, %reshape3A_5, %reduce_max3A [0] : vector<32x8x128xf32> to vector<8x128xf32>
    %slice3A = vector.extract_strided_slice %reduce_sum3A_6 {offsets = [0, 0], sizes = [8, 16], strides = [1, 1]} : vector<8x128xf32> to vector<8x16xf32>
    %reduce_sum3A_8 = arith.constant dense<0.000000e+00> : vector<8xf32>
    %reduce_sum3A_9 = vector.multi_reduction <add>, %slice3A, %reduce_sum3A_8 [1] : vector<8x16xf32> to vector<8xf32>
    %broadcast_in_dim3A = vector.shape_cast %reduce_sum3A_9 : vector<8xf32> to vector<8x1xf32>
    %slice3A_10 = vector.extract_strided_slice %reduce_sum3A_6 {offsets = [0, 16], sizes = [8, 16], strides = [1, 1]} : vector<8x128xf32> to vector<8x16xf32>
    %reduce_sum3A_11 = arith.constant dense<0.000000e+00> : vector<8xf32>
    %reduce_sum3A_12 = vector.multi_reduction <add>, %slice3A_10, %reduce_sum3A_11 [1] : vector<8x16xf32> to vector<8xf32>
    %broadcast_in_dim3A_13 = vector.shape_cast %reduce_sum3A_12 : vector<8xf32> to vector<8x1xf32>
    %slice3A_14 = vector.extract_strided_slice %reduce_sum3A_6 {offsets = [0, 32], sizes = [8, 16], strides = [1, 1]} : vector<8x128xf32> to vector<8x16xf32>
    %reduce_sum3A_15 = arith.constant dense<0.000000e+00> : vector<8xf32>
    %reduce_sum3A_16 = vector.multi_reduction <add>, %slice3A_14, %reduce_sum3A_15 [1] : vector<8x16xf32> to vector<8xf32>
    %broadcast_in_dim3A_17 = vector.shape_cast %reduce_sum3A_16 : vector<8xf32> to vector<8x1xf32>
    %slice3A_18 = vector.extract_strided_slice %reduce_sum3A_6 {offsets = [0, 48], sizes = [8, 16], strides = [1, 1]} : vector<8x128xf32> to vector<8x16xf32>
    %reduce_sum3A_19 = arith.constant dense<0.000000e+00> : vector<8xf32>
    %reduce_sum3A_20 = vector.multi_reduction <add>, %slice3A_18, %reduce_sum3A_19 [1] : vector<8x16xf32> to vector<8xf32>
    %broadcast_in_dim3A_21 = vector.shape_cast %reduce_sum3A_20 : vector<8xf32> to vector<8x1xf32>
    %slice3A_22 = vector.extract_strided_slice %reduce_sum3A_6 {offsets = [0, 64], sizes = [8, 16], strides = [1, 1]} : vector<8x128xf32> to vector<8x16xf32>
    %reduce_sum3A_23 = arith.constant dense<0.000000e+00> : vector<8xf32>
    %reduce_sum3A_24 = vector.multi_reduction <add>, %slice3A_22, %reduce_sum3A_23 [1] : vector<8x16xf32> to vector<8xf32>
    %broadcast_in_dim3A_25 = vector.shape_cast %reduce_sum3A_24 : vector<8xf32> to vector<8x1xf32>
    %slice3A_26 = vector.extract_strided_slice %reduce_sum3A_6 {offsets = [0, 80], sizes = [8, 16], strides = [1, 1]} : vector<8x128xf32> to vector<8x16xf32>
    %reduce_sum3A_27 = arith.constant dense<0.000000e+00> : vector<8xf32>
    %reduce_sum3A_28 = vector.multi_reduction <add>, %slice3A_26, %reduce_sum3A_27 [1] : vector<8x16xf32> to vector<8xf32>
    %broadcast_in_dim3A_29 = vector.shape_cast %reduce_sum3A_28 : vector<8xf32> to vector<8x1xf32>
    %slice3A_30 = vector.extract_strided_slice %reduce_sum3A_6 {offsets = [0, 96], sizes = [8, 16], strides = [1, 1]} : vector<8x128xf32> to vector<8x16xf32>
    %reduce_sum3A_31 = arith.constant dense<0.000000e+00> : vector<8xf32>
    %reduce_sum3A_32 = vector.multi_reduction <add>, %slice3A_30, %reduce_sum3A_31 [1] : vector<8x16xf32> to vector<8xf32>
    %broadcast_in_dim3A_33 = vector.shape_cast %reduce_sum3A_32 : vector<8xf32> to vector<8x1xf32>
    %slice3A_34 = vector.extract_strided_slice %reduce_sum3A_6 {offsets = [0, 112], sizes = [8, 16], strides = [1, 1]} : vector<8x128xf32> to vector<8x16xf32>
    %reduce_sum3A_35 = arith.constant dense<0.000000e+00> : vector<8xf32>
    %reduce_sum3A_36 = vector.multi_reduction <add>, %slice3A_34, %reduce_sum3A_35 [1] : vector<8x16xf32> to vector<8xf32>
    %broadcast_in_dim3A_37 = vector.shape_cast %reduce_sum3A_36 : vector<8xf32> to vector<8x1xf32>
    %concatenate3A = tpu.concatenate %broadcast_in_dim3A, %broadcast_in_dim3A_13, %broadcast_in_dim3A_17, %broadcast_in_dim3A_21, %broadcast_in_dim3A_25, %broadcast_in_dim3A_29, %broadcast_in_dim3A_33, %broadcast_in_dim3A_37 in 1 : vector<8x1xf32>, vector<8x1xf32>, vector<8x1xf32>, vector<8x1xf32>, vector<8x1xf32>, vector<8x1xf32>, vector<8x1xf32>, vector<8x1xf32> -> vector<8x8xf32>
    %slice3A_38 = vector.extract_strided_slice %reduce_max3A_7 {offsets = [0, 0], sizes = [8, 16], strides = [1, 1]} : vector<8x128xf32> to vector<8x16xf32>
    %reduce_max3A_39 = arith.constant dense<0xFF800000> : vector<8xf32>
    %reduce_max3A_40 = vector.multi_reduction <maximumf>, %slice3A_38, %reduce_max3A_39 [1] : vector<8x16xf32> to vector<8xf32>
    %broadcast_in_dim3A_41 = vector.shape_cast %reduce_max3A_40 : vector<8xf32> to vector<8x1xf32>
    %slice3A_42 = vector.extract_strided_slice %reduce_max3A_7 {offsets = [0, 16], sizes = [8, 16], strides = [1, 1]} : vector<8x128xf32> to vector<8x16xf32>
    %reduce_max3A_43 = arith.constant dense<0xFF800000> : vector<8xf32>
    %reduce_max3A_44 = vector.multi_reduction <maximumf>, %slice3A_42, %reduce_max3A_43 [1] : vector<8x16xf32> to vector<8xf32>
    %broadcast_in_dim3A_45 = vector.shape_cast %reduce_max3A_44 : vector<8xf32> to vector<8x1xf32>
    %slice3A_46 = vector.extract_strided_slice %reduce_max3A_7 {offsets = [0, 32], sizes = [8, 16], strides = [1, 1]} : vector<8x128xf32> to vector<8x16xf32>
    %reduce_max3A_47 = arith.constant dense<0xFF800000> : vector<8xf32>
    %reduce_max3A_48 = vector.multi_reduction <maximumf>, %slice3A_46, %reduce_max3A_47 [1] : vector<8x16xf32> to vector<8xf32>
    %broadcast_in_dim3A_49 = vector.shape_cast %reduce_max3A_48 : vector<8xf32> to vector<8x1xf32>
    %slice3A_50 = vector.extract_strided_slice %reduce_max3A_7 {offsets = [0, 48], sizes = [8, 16], strides = [1, 1]} : vector<8x128xf32> to vector<8x16xf32>
    %reduce_max3A_51 = arith.constant dense<0xFF800000> : vector<8xf32>
    %reduce_max3A_52 = vector.multi_reduction <maximumf>, %slice3A_50, %reduce_max3A_51 [1] : vector<8x16xf32> to vector<8xf32>
    %broadcast_in_dim3A_53 = vector.shape_cast %reduce_max3A_52 : vector<8xf32> to vector<8x1xf32>
    %slice3A_54 = vector.extract_strided_slice %reduce_max3A_7 {offsets = [0, 64], sizes = [8, 16], strides = [1, 1]} : vector<8x128xf32> to vector<8x16xf32>
    %reduce_max3A_55 = arith.constant dense<0xFF800000> : vector<8xf32>
    %reduce_max3A_56 = vector.multi_reduction <maximumf>, %slice3A_54, %reduce_max3A_55 [1] : vector<8x16xf32> to vector<8xf32>
    %broadcast_in_dim3A_57 = vector.shape_cast %reduce_max3A_56 : vector<8xf32> to vector<8x1xf32>
    %slice3A_58 = vector.extract_strided_slice %reduce_max3A_7 {offsets = [0, 80], sizes = [8, 16], strides = [1, 1]} : vector<8x128xf32> to vector<8x16xf32>
    %reduce_max3A_59 = arith.constant dense<0xFF800000> : vector<8xf32>
    %reduce_max3A_60 = vector.multi_reduction <maximumf>, %slice3A_58, %reduce_max3A_59 [1] : vector<8x16xf32> to vector<8xf32>
    %broadcast_in_dim3A_61 = vector.shape_cast %reduce_max3A_60 : vector<8xf32> to vector<8x1xf32>
    %slice3A_62 = vector.extract_strided_slice %reduce_max3A_7 {offsets = [0, 96], sizes = [8, 16], strides = [1, 1]} : vector<8x128xf32> to vector<8x16xf32>
    %reduce_max3A_63 = arith.constant dense<0xFF800000> : vector<8xf32>
    %reduce_max3A_64 = vector.multi_reduction <maximumf>, %slice3A_62, %reduce_max3A_63 [1] : vector<8x16xf32> to vector<8xf32>
    %broadcast_in_dim3A_65 = vector.shape_cast %reduce_max3A_64 : vector<8xf32> to vector<8x1xf32>
    %slice3A_66 = vector.extract_strided_slice %reduce_max3A_7 {offsets = [0, 112], sizes = [8, 16], strides = [1, 1]} : vector<8x128xf32> to vector<8x16xf32>
    %reduce_max3A_67 = arith.constant dense<0xFF800000> : vector<8xf32>
    %reduce_max3A_68 = vector.multi_reduction <maximumf>, %slice3A_66, %reduce_max3A_67 [1] : vector<8x16xf32> to vector<8xf32>
    %broadcast_in_dim3A_69 = vector.shape_cast %reduce_max3A_68 : vector<8xf32> to vector<8x1xf32>
    %concatenate3A_70 = tpu.concatenate %broadcast_in_dim3A_41, %broadcast_in_dim3A_45, %broadcast_in_dim3A_49, %broadcast_in_dim3A_53, %broadcast_in_dim3A_57, %broadcast_in_dim3A_61, %broadcast_in_dim3A_65, %broadcast_in_dim3A_69 in 1 : vector<8x1xf32>, vector<8x1xf32>, vector<8x1xf32>, vector<8x1xf32>, vector<8x1xf32>, vector<8x1xf32>, vector<8x1xf32>, vector<8x1xf32> -> vector<8x8xf32>
    %iota3A = tpu.iota {dimensions = array<i32: 0>} : vector<8x8x128xi32>
    %iota3A_71 = tpu.iota {dimensions = array<i32: 1>} : vector<8x8x128xi32>
    %iota3A_72 = tpu.iota {dimensions = array<i32: 2>} : vector<8x8x128xi32>
    %jit3A = arith.constant 64 : i32
    %eq3A = arith.constant 0 : i32
    %eq3A_73 = arith.cmpi eq, %jit3A, %eq3A : i32
    %jit3A_74 = arith.constant 1 : i32
    %select_n3A = arith.select %eq3A_73, %jit3A_74, %jit3A : i32
    %rem3A = vector.broadcast %select_n3A : i32 to vector<8x8x128xi32>
    %rem3A_75 = arith.remsi %iota3A_72, %rem3A : vector<8x8x128xi32>
    %ne3A = arith.constant 0 : i32
    %ne3A_76 = vector.broadcast %ne3A : i32 to vector<8x8x128xi32>
    %ne3A_77 = arith.cmpi ne, %rem3A_75, %ne3A_76 : vector<8x8x128xi32>
    %lt3A = arith.constant 0 : i32
    %lt3A_78 = vector.broadcast %lt3A : i32 to vector<8x8x128xi32>
    %lt3A_79 = arith.cmpi slt, %rem3A_75, %lt3A_78 : vector<8x8x128xi32>
    %lt3A_80 = arith.constant 0 : i32
    %lt3A_81 = arith.cmpi slt, %select_n3A, %lt3A_80 : i32
    %ne3A_82 = vector.broadcast %lt3A_81 : i1 to vector<8x8x128xi1>
    %ne3A_83 = vector.broadcast %ne3A_82 : vector<8x8x128xi1> to vector<8x8x128xi1>
    %ne3A_84 = arith.xori %lt3A_79, %ne3A_83 : vector<8x8x128xi1>
    %and3A = arith.andi %ne3A_84, %ne3A_77 : vector<8x8x128xi1>
    %add3A = vector.broadcast %select_n3A : i32 to vector<8x8x128xi32>
    %add3A_85 = arith.addi %rem3A_75, %add3A : vector<8x8x128xi32>
    %select_n3A_86 = arith.select %and3A, %add3A_85, %rem3A_75 : vector<8x8x128xi1>, vector<8x8x128xi32>
    %jit3A_87 = arith.constant 8 : i32
    %div3A = vector.broadcast %jit3A_87 : i32 to vector<8x8x128xi32>
    %div3A_88 = arith.divsi %select_n3A_86, %div3A : vector<8x8x128xi32>
    %sign3A = arith.constant 0 : i32
    %sign3A_89 = vector.broadcast %sign3A : i32 to vector<8x8x128xi32>
    %sign3A_90 = arith.cmpi sgt, %select_n3A_86, %sign3A_89 : vector<8x8x128xi32>
    %sign3A_91 = arith.extui %sign3A_90 : vector<8x8x128xi1> to vector<8x8x128xi32>
    %sign3A_92 = arith.constant 0 : i32
    %sign3A_93 = vector.broadcast %sign3A_92 : i32 to vector<8x8x128xi32>
    %sign3A_94 = arith.cmpi slt, %select_n3A_86, %sign3A_93 : vector<8x8x128xi32>
    %sign3A_95 = arith.extui %sign3A_94 : vector<8x8x128xi1> to vector<8x8x128xi32>
    %sign3A_96 = arith.subi %sign3A_91, %sign3A_95 : vector<8x8x128xi32>
    %sign3A_97 = arith.constant 0 : i32
    %sign3A_98 = arith.cmpi sgt, %jit3A_87, %sign3A_97 : i32
    %sign3A_99 = arith.extui %sign3A_98 : i1 to i32
    %sign3A_100 = arith.constant 0 : i32
    %sign3A_101 = arith.cmpi slt, %jit3A_87, %sign3A_100 : i32
    %sign3A_102 = arith.extui %sign3A_101 : i1 to i32
    %sign3A_103 = arith.subi %sign3A_99, %sign3A_102 : i32
    %ne3A_104 = vector.broadcast %sign3A_103 : i32 to vector<8x8x128xi32>
    %ne3A_105 = arith.cmpi ne, %sign3A_96, %ne3A_104 : vector<8x8x128xi32>
    %rem3A_106 = vector.broadcast %jit3A_87 : i32 to vector<8x8x128xi32>
    %rem3A_107 = arith.remsi %select_n3A_86, %rem3A_106 : vector<8x8x128xi32>
    %ne3A_108 = arith.constant 0 : i32
    %ne3A_109 = vector.broadcast %ne3A_108 : i32 to vector<8x8x128xi32>
    %ne3A_110 = arith.cmpi ne, %rem3A_107, %ne3A_109 : vector<8x8x128xi32>
    %and3A_111 = arith.andi %ne3A_105, %ne3A_110 : vector<8x8x128xi1>
    %sub3A = arith.constant 1 : i32
    %sub3A_112 = vector.broadcast %sub3A : i32 to vector<8x8x128xi32>
    %sub3A_113 = arith.subi %div3A_88, %sub3A_112 : vector<8x8x128xi32>
    %select_n3A_114 = arith.select %and3A_111, %sub3A_113, %div3A_88 : vector<8x8x128xi1>, vector<8x8x128xi32>
    %eq3A_115 = arith.cmpi eq, %iota3A, %select_n3A_114 : vector<8x8x128xi32>
    %jit3A_116 = arith.constant 8 : i32
    %eq3A_117 = arith.constant 0 : i32
    %eq3A_118 = arith.cmpi eq, %jit3A_116, %eq3A_117 : i32
    %jit3A_119 = arith.constant 1 : i32
    %select_n3A_120 = arith.select %eq3A_118, %jit3A_119, %jit3A_116 : i32
    %rem3A_121 = vector.broadcast %select_n3A_120 : i32 to vector<8x8x128xi32>
    %rem3A_122 = arith.remsi %iota3A_72, %rem3A_121 : vector<8x8x128xi32>
    %ne3A_123 = arith.constant 0 : i32
    %ne3A_124 = vector.broadcast %ne3A_123 : i32 to vector<8x8x128xi32>
    %ne3A_125 = arith.cmpi ne, %rem3A_122, %ne3A_124 : vector<8x8x128xi32>
    %lt3A_126 = arith.constant 0 : i32
    %lt3A_127 = vector.broadcast %lt3A_126 : i32 to vector<8x8x128xi32>
    %lt3A_128 = arith.cmpi slt, %rem3A_122, %lt3A_127 : vector<8x8x128xi32>
    %lt3A_129 = arith.constant 0 : i32
    %lt3A_130 = arith.cmpi slt, %select_n3A_120, %lt3A_129 : i32
    %ne3A_131 = vector.broadcast %lt3A_130 : i1 to vector<8x8x128xi1>
    %ne3A_132 = vector.broadcast %ne3A_131 : vector<8x8x128xi1> to vector<8x8x128xi1>
    %ne3A_133 = arith.xori %lt3A_128, %ne3A_132 : vector<8x8x128xi1>
    %and3A_134 = arith.andi %ne3A_133, %ne3A_125 : vector<8x8x128xi1>
    %add3A_135 = vector.broadcast %select_n3A_120 : i32 to vector<8x8x128xi32>
    %add3A_136 = arith.addi %rem3A_122, %add3A_135 : vector<8x8x128xi32>
    %select_n3A_137 = arith.select %and3A_134, %add3A_136, %rem3A_122 : vector<8x8x128xi1>, vector<8x8x128xi32>
    %eq3A_138 = arith.cmpi eq, %iota3A_71, %select_n3A_137 : vector<8x8x128xi32>
    %and3A_139 = arith.andi %eq3A_115, %eq3A_138 : vector<8x8x128xi1>
    %convert_element_type3A = arith.extui %and3A_139 : vector<8x8x128xi1> to vector<8x8x128xi32>
    %convert_element_type3A_140 = arith.sitofp %convert_element_type3A : vector<8x8x128xi32> to vector<8x8x128xf32>
    %broadcast_in_dim3A_141 = vector.shape_cast %concatenate3A : vector<8x8xf32> to vector<8x8x1xf32>
    %mul3A = vector.broadcast %broadcast_in_dim3A_141 : vector<8x8x1xf32> to vector<8x8x128xf32>
    %mul3A_142 = arith.mulf %mul3A, %convert_element_type3A_140 : vector<8x8x128xf32>
    %reduce_sum3A_143 = arith.constant dense<0.000000e+00> : vector<128xf32>
    %reduce_sum3A_144 = vector.multi_reduction <add>, %mul3A_142, %reduce_sum3A_143 [0, 1] : vector<8x8x128xf32> to vector<128xf32>
    %broadcast_in_dim3A_145 = vector.shape_cast %concatenate3A_70 : vector<8x8xf32> to vector<8x8x1xf32>
    %mul3A_146 = vector.broadcast %broadcast_in_dim3A_145 : vector<8x8x1xf32> to vector<8x8x128xf32>
    %mul3A_147 = arith.mulf %mul3A_146, %convert_element_type3A_140 : vector<8x8x128xf32>
    %reduce_sum3A_148 = arith.constant dense<0.000000e+00> : vector<128xf32>
    %reduce_sum3A_149 = vector.multi_reduction <add>, %mul3A_147, %reduce_sum3A_148 [0, 1] : vector<8x8x128xf32> to vector<128xf32>
    %broadcast_in_dim3A_150 = vector.shape_cast %reduce_sum3A_144 : vector<128xf32> to vector<1x128xf32>
    %broadcast_in_dim3A_151 = vector.shape_cast %broadcast_in_dim3A_150 : vector<1x128xf32> to vector<1x128xf32>
    %broadcast_in_dim3A_152 = vector.broadcast %broadcast_in_dim3A_151 : vector<1x128xf32> to vector<32x128xf32>
    %swap3A = arith.constant 0 : index
    %swap3A_153 = arith.constant 0 : index
    %swap3A_154 = vector.load %arg2[%swap3A, %swap3A_153] : memref<32x128xf32, #tpu.memory_space<vmem>>, vector<32x128xf32>
    tpu.vector_store %arg2[%swap3A, %swap3A_153], %broadcast_in_dim3A_152 {strides = array<i32>} : memref<32x128xf32, #tpu.memory_space<vmem>>, vector<32x128xf32>,
    %broadcast_in_dim3A_155 = vector.shape_cast %reduce_sum3A_149 : vector<128xf32> to vector<1x128xf32>
    %broadcast_in_dim3A_156 = vector.shape_cast %broadcast_in_dim3A_155 : vector<1x128xf32> to vector<1x128xf32>
    %broadcast_in_dim3A_157 = vector.broadcast %broadcast_in_dim3A_156 : vector<1x128xf32> to vector<32x128xf32>
    %swap3A_158 = arith.constant 0 : index
    %swap3A_159 = arith.constant 0 : index
    %swap3A_160 = vector.load %arg3[%swap3A_158, %swap3A_159] : memref<32x128xf32, #tpu.memory_space<vmem>>, vector<32x128xf32>
    tpu.vector_store %arg3[%swap3A_158, %swap3A_159], %broadcast_in_dim3A_157 {strides = array<i32>} : memref<32x128xf32, #tpu.memory_space<vmem>>, vector<32x128xf32>,
    return
  }
}

</mosaic_0001>

<sc_bundles>
// kernel: kernel.4.cloned.1.call-start
scs
__scs_entry_jumppad:
0x0: {  	(pc) =	sbr.rel $0x88, $3  }
0x1: {  	(tag) =	ssettag $0x0;
	lr =	simm.s32 $0x1  }
0x2: {  	[smem:$0x3F9F] =	sst lr;
	_ =	strace $0xD0000000  }
0x3: {  	_ = 	snop  }
0x4: {  	_ = 	snop  }
0x5: {  	_ = 	snop  }
0x6: {  	_ = 	snop  }
0x7: {  	_ = 	snop  }
__scs_overlays_trampoline_lowered:
0x8: {  	[smem:$0x3FAE] =	sst s0  }
0x9: {  	[smem:$0x3FAF] =	sst s1  }
0xa: {  	[smem:$0x3FB0] =	sst s2  }
0xb: {  	[smem:$0x3FB1] =	sst s3  }
0xc: {  	[smem:$0x3FB2] =	sst s4  }
0xd: {  	[smem:$0x3FB3] =	sst s5  }
0xe: {  	[smem:$0x3FB4] =	sst s6  }
0xf: {  	[smem:$0x3FB5] =	sst s7  }
0x10: {  	[smem:$0x3FB6] =	sst s8  }
0x11: {  	[smem:$0x3FB7] =	sst s9;
	s0 =	simm.s32 @!p0 $0x0  }
0x12: {  	s1 =	sld [smem:$0x3F9D];
	s0 =	simm.s32 @p0 $0x1  }
0x13: {  	[smem:$0x3FB8] =	sst s0;
	s0 =	simm.s32 @!p1 $0x0  }
0x14: {  	s2 =	sld [smem:$0x3F9C];
	s0 =	simm.s32 @p1 $0x1  }
0x15: {  	[smem:$0x3FB9] =	sst s0;
	s0 =	simm.s32 @!p2 $0x0  }
0x16: {  	s3 =	sld [smem:$0x3FDB];
	s0 =	simm.s32 @p2 $0x1  }
0x17: {  	s4 =	simm.s32 $0x1BF5;
	[smem:$0x3FBB] =	sst s0  }
0x18: {  	s0 =	sld [smem:$0x3F9E];
	_ =	swait.ge [sflag:s4], $0x0  }
0x19: {  	s7 =	sld [smem:$0x3F9F]  }
0x1a: {  	s8 =	sadd.s32 $0xFFFFE003, lr  }
0x1b: {  	s9 =	sadd.s32 $0xFFFFFEF7, lr;
	s5 =	simm.s32 $0xFFFFFFFF;
	p2 =	slt.u32 s8, $0xFFFFF086  }
0x1c: {  	p1 =	slt.u32 s9, $0xF7A;
	s5 =	simm.s32 @!p2 $0x0  }
0x1d: {  	s5 =	simm.s32 @p1 $0x1;
	p0 =	seq.s32 s7, s2  }
0x1e: {  	s7 =	smul.u32 @!p0 $0xF7A, s2;
	p2 =	seq.s32 @!p0 s5, $0x0  }
0x1f: {  	s9 =	smul.u32 $0xF7A, s1;
	s8 =	simm.s32 @!p0 $0x1BF5;
	p2 =	por !p2, p0  }
0x20: {  	[sflag:s8] =	ssyncset.s32 @!p0 $0xFFFFF086;
	s6 =	sadd.s32 @!p0 s3, s7;
	s7 =	simm.s32 @!p0 $0x108  }
0x21: {  	s3 =	sadd.s32 s3, s9;
	s6 =	sadd.s32 @!p0 $0x88, s6;
	s7 =	simm.s32 @p2 $0x1082  }
0x22: {  	[simem:s7], [sflag:s8] =	dma.local @!p0 [hbm:s6], $0xF7A  }
0x23: {  	s9 =	sor.u32 $0xD0000000, s2;
	s6 =	simm.s32 $0x108;
	_ =	swait.ge @!p0 [sflag:s8], $0x0  }
0x24: {  	s3 =	sadd.s32 $0x88, s3;
	s6 =	simm.s32 @!p1 $0x1082;
	[sflag:s4] =	ssyncset.s32 $0xFFFFF086  }
0x25: {  	[simem:s6], [sflag:s4] =	dma.local [hbm:s3], $0xF7A  }
0x26: {  	[smem:$0x3F9F] =	sst s1;
	(tag) =	ssettag s2;
	_ =	strace s9  }
0x27: {  	s1 =	sld [smem:$0x3FAF]  }
0x28: {  	s2 =	sld [smem:$0x3FB0]  }
0x29: {  	s4 =	sld [smem:$0x3FB2]  }
0x2a: {  	p0 =	seq.s32 s5, $0x0;
	s5 =	sld [smem:$0x3FB3]  }
0x2b: {  	s6 =	sld [smem:$0x3FB4]  }
0x2c: {  	s7 =	sld [smem:$0x3FB5]  }
0x2d: {  	s3 =	simm.s32 $0x108;
	s8 =	sld [smem:$0x3FB6]  }
0x2e: {  	s3 =	simm.s32 @!p0 $0x1082;
	s9 =	sld [smem:$0x3FB7]  }
0x2f: {  	lr =	sadd.s32 s0, s3;
	s0 =	sld [smem:$0x3FAE]  }
0x30: {  	s3 =	sld [smem:$0x3FB1]  }
0x31: {  	[smem:$0x3FBA] =	sst s10  }
0x32: {  	s10 =	sld [smem:$0x3FB8];
	_ =	sdelay $0x3  }
0x33: {  	p0 =	seq.s32 s10, $0x1;
	s10 =	sld [smem:$0x3FBA];
	_ =	sdelay $0x3  }
0x34: {  	[smem:$0x3FBA] =	sst s10  }
0x35: {  	s10 =	sld [smem:$0x3FB9];
	_ =	sdelay $0x3  }
0x36: {  	p1 =	seq.s32 s10, $0x1;
	s10 =	sld [smem:$0x3FBA];
	_ =	sdelay $0x3  }
0x37: {  	[smem:$0x3FBA] =	sst s10  }
0x38: {  	s10 =	sld [smem:$0x3FBB]  }
0x39: {  	_ = 	snop;
	(pc) =	sbr.ind lr, $3  }
0x3a: {  	_ = 	snop  }
0x3b: {  	_ = 	snop  }
0x3c: {  	p2 =	seq.s32 s10, $0x1;
	s10 =	sld [smem:$0x3FBA]  }
0x3d: {  	_ =	shalt  }
0x3e: {  	_ =	shalt  }
0x3f: {  	_ =	shalt  }
0x40: {  	_ =	shalt  }
0x41: {  	_ =	shalt  }
0x42: {  	_ =	shalt  }
0x43: {  	_ =	shalt  }
0x44: {  	_ =	shalt  }
0x45: {  	_ =	shalt  }
0x46: {  	_ =	shalt  }
0x47: {  	_ =	shalt  }
0x48: {  	_ =	shalt  }
0x49: {  	_ =	shalt  }
0x4a: {  	_ =	shalt  }
0x4b: {  	_ =	shalt  }
0x4c: {  	_ =	shalt  }
0x4d: {  	_ =	shalt  }
0x4e: {  	_ =	shalt  }
0x4f: {  	_ =	shalt  }
0x50: {  	_ =	shalt  }
0x51: {  	_ =	shalt  }
0x52: {  	_ =	shalt  }
0x53: {  	_ =	shalt  }
0x54: {  	_ =	shalt  }
0x55: {  	_ =	shalt  }
0x56: {  	_ =	shalt  }
0x57: {  	_ =	shalt  }
0x58: {  	_ =	shalt  }
0x59: {  	_ =	shalt  }
0x5a: {  	_ =	shalt  }
0x5b: {  	_ =	shalt  }
0x5c: {  	_ =	shalt  }
0x5d: {  	_ =	shalt  }
0x5e: {  	_ =	shalt  }
0x5f: {  	_ =	shalt  }
0x60: {  	_ =	shalt  }
0x61: {  	_ =	shalt  }
0x62: {  	_ =	shalt  }
0x63: {  	_ =	shalt  }
0x64: {  	_ =	shalt  }
0x65: {  	_ =	shalt  }
0x66: {  	_ =	shalt  }
0x67: {  	_ =	shalt  }
0x68: {  	_ =	shalt  }
0x69: {  	_ =	shalt  }
0x6a: {  	_ =	shalt  }
0x6b: {  	_ =	shalt  }
0x6c: {  	_ =	shalt  }
0x6d: {  	_ =	shalt  }
0x6e: {  	_ =	shalt  }
0x6f: {  	_ =	shalt  }
0x70: {  	_ =	shalt  }
0x71: {  	_ =	shalt  }
0x72: {  	_ =	shalt  }
0x73: {  	_ =	shalt  }
0x74: {  	_ =	shalt  }
0x75: {  	_ =	shalt  }
0x76: {  	_ =	shalt  }
0x77: {  	_ =	shalt  }
0x78: {  	_ =	shalt  }
0x79: {  	_ =	shalt  }
0x7a: {  	_ =	shalt  }
0x7b: {  	_ =	shalt  }
0x7c: {  	_ =	shalt  }
0x7d: {  	_ =	shalt  }
0x7e: {  	_ =	shalt  }
0x7f: {  	_ =	shalt  }
0x80: {  	_ =	shalt  }
0x81: {  	_ =	shalt  }
0x82: {  	_ =	shalt  }
0x83: {  	_ =	shalt  }
0x84: {  	_ =	shalt  }
0x85: {  	_ =	shalt  }
0x86: {  	_ =	shalt  }
0x87: {  	_ =	shalt  }
.Lfunc_end0:
.L_simem_size_0:
called_computation_lowered:
.L_overlay_start_0:
0x88: {  	s2 =	sld [smem:$0x3FD9]  }
0x89: {  	s3 =	sld [smem:$0x3FFE];
	_ =	sdelay $0x1  }
0x8a: {  	s1 =	srdreg.scid  }
0x8b: {  	s0 =	sand.u32 $0x1, s1  }
0x8c: {  	s14 =	sshll.u32 s0, $0xA;
	s2 =	sadd.s32 s3, s2  }
0x8d: {  	s2 =	sadd.s32 s2, s14  }
0x8e: {  	[smem:$0x3FC6] =	sst s2  }
0x8f: {  	_ = 	snop  }
0x90: {  	s2 =	sld [smem:$0x3FD0];
	_ =	sdelay $0x2  }
0x91: {  	s15 =	simm.s32 $0xA;
	s4 =	simm.s32 $0x10  }
0x92: {  	[smem:s4], [sflag:s15] =	dma.local [hbm:s2], $0x1  }
0x93: {  	_ =	swait.eq [sflag:s15], $0x1  }
0x94: {  	[sflag:s15] =	ssyncset.done $0x0  }
0x95: {  	s16 =	sld [smem:$0x11];
	[sflag:s15] =	ssyncadd.s32 $0xFFFFFFFF  }
0x96: {  	s17 =	sld [smem:$0x12];
	(tm) =	ssettm $0x1  }
0x97: {  	s18 =	sld [smem:$0x3FFB];
	_ =	sdelay $0x3  }
0x98: {  	_ =	strace s18  }
0x99: {  	s4 =	sld [smem:$0x3FFC];
	_ =	sdelay $0x3  }
0x9a: {  	_ =	strace s4  }
0x9b: {  	s4 =	sld [smem:$0x3FFD];
	_ =	sdelay $0x3  }
0x9c: {  	_ =	strace s4  }
0x9d: {  	_ =	strace $0x8FFFFFFF  }
0x9e: {  	s19 =	sld [smem:$0x3FDB];
	_ =	sdelay $0x1  }
0x9f: {  	s5 =	simm.s32 $_scs_section_size  }
0xa0: {  	s6 =	simm.s32 $_size__tile_overlayer_lowered;
	s7 =	simm.s32 $_tile_overlayer_lowered  }
0xa1: {  	s22 =	simm.s32 $0x1BFF;
	s21 =	sshll.u32 s7, $0x1;
	s4 =	sadd.s32 s5, s19  }
0xa2: {  	s8 =	simm.s32 $0x0;
	s20 =	sshll.u32 s6, $0x1;
	s6 =	sadd.s32 s21, s4  }
0xa3: {  	[timem:s8], [sflag:s22] =	dma.local [hbm:s6], s20  }
0xa4: {  	_ =	swait.ge [sflag:s22], s20  }
0xa5: {  	s5 =	ssub.s32 $0x0, s20;
	[sflag:s22] =	ssyncset.done $0x0  }
0xa6: {  	[sflag:s22] =	ssyncadd.s32 s5;
	_ =	sdelay $0x1  }
0xa7: {  	s23 =	simm.s32 $0x1B8B  }
0xa8: {  	_ =	swait.ge [sflag:s23], $0x1  }
0xa9: {  	[sflag:s23] =	ssyncset.done $0x0  }
0xaa: {  	s25 =	simm.s32 $0x1B8E;
	s24 =	sld [smem:$0x3FFE];
	[sflag:s23] =	ssyncadd.s32 $0xFFFFFFFF  }
0xab: {  	s26 =	simm.s32 $execute0_lowered;
	[smem:$0x3FD2] =	sst s25  }
0xac: {  	s6 =	sshll.u32 s26, $0x1;
	_ =	strace $0x80000046;
	[dreg:$0x1] =	wrdreg $0xFFFFFFFF  }
0xad: {  	s28 =	simm.s32 $_size_execute0_lowered;
	s4 =	sadd.s32 s4, s6;
	[dreg:$0x0] =	wrdreg $0x0  }
0xae: {  	s6 =	sshll.u32 s28, $0x1;
	[dreg:$0x2] =	wrdreg s4  }
0xaf: {  	[dreg:$0x3] =	wrdreg s6  }
0xb0: {  	[dreg:$0x4] =	wrdreg $0xC0  }
0xb1: {  	_ =	task [dreg:s8], $0x5FFFF  }
0xb2: {  	[dreg:$0x1] =	wrdreg $0xFFFFFFFF  }
0xb3: {  	[dreg:$0x0] =	wrdreg $0x60  }
0xb4: {  	[dreg:$0x2] =	wrdreg s24  }
0xb5: {  	[dreg:$0x3] =	wrdreg s17  }
0xb6: {  	[dreg:$0x4] =	wrdreg s16  }
0xb7: {  	[dreg:$0x5] =	wrdreg $0x9  }
0xb8: {  	_ =	task.clear_ibuf [dreg:s8], $0x6FFFF;
	_ =	strace $0x90000046  }
0xb9: {  	s29 =	simm.s32 $0x9;
	_ =	strace $0x80000048  }
0xba: {  	_ =	swait.ge [sflag:s29], $0x1  }
0xbb: {  	[sflag:s29] =	ssyncadd.s32 $0xFFFFFFFF  }
0xbc: {  	_ =	strace $0x90000048  }
0xbd: {  	_ =	sfence  }
0xbe: {  	s30 =	sld [smem:$0x0];
	_ =	sdelay $0x2  }
0xbf: {  	s31 =	sshll.u32 s1, $0xD;
	s1 =	sshrl.u32 s1, $0x2  }
0xc0: {  	s3 =	sand.u32 $0x4000, s31;
	s1 =	sadd.s32 s1, s30  }
0xc1: {  	s0 =	sor.u32 s3, s0;
	s1 =	sshll.u32 s1, $0x11  }
0xc2: {  	s0 =	sor.u32 s1, s0  }
0xc3: {  	s0 =	sadd.s32 $0x8F2B, s0  }
0xc4: {  	[sflag:s0] =	ssyncadd.remote.s32 $0x1  }
0xc5: {  	_ =	sfence.sel $0xFFFF  }
0xc6: {  	[dreg:$0x0] =	wrdreg $0xFFFFFFFF;
	(pc) =	sbr.abs _section_cstart, $3  }
0xc7: {  	[dreg:$0x1] =	wrdreg $0xFFFFFFFF  }
0xc8: {  	_ =	task.clear_ibuf [dreg:s8], $0x2FFFF;
	_ =	strace $0x9FFFFFFF  }
0xc9: {  	(tm) =	ssettm $0x7FFFFFFF  }
tec
execute0_lowered:
.L_overlay_start_1:
0x0: {  	(tag) =	ssettag $0x1  }
0x1: {  	s0 =	rddreg [dreg:$0x0];
	s1 =	srdreg.scid  }
0x2: {  	s2 =	stileid.u32;
	s4 =	simm.s32 $0x0;
	s12 =	simm.s32 $0xC340  }
0x3: {  	s13 =	simm.s32 $0x6180;
	s14 =	simm.s32 $0x124C0;
	s15 =	simm.s32 $0x1  }
0x4: {  	s16 =	simm.s32 $0x2;
	s17 =	simm.s32 $0x18A80;
	s18 =	simm.s32 $0x18E80  }
0x5: {  	s19 =	simm.s32 $0x19280;
	s20 =	simm.s32 $0x19680;
	s21 =	simm.s32 $0x19A80  }
0x6: {  	s22 =	simm.s32 $0x19E80;
	s23 =	simm.s32 $0x1A280;
	s24 =	simm.s32 $0x1A680  }
0x7: {  	s25 =	simm.s32 $0x1AA80;
	s28 =	simm.s32 $0x4;
	s29 =	simm.s32 $0x18680  }
0x8: {  	s30 =	simm.s32 $0x5;
	s31 =	simm.s32 $0x18880;
	s1 =	sand.u32 $0x1, s1  }
0x9: {  	s2 =	sshll.u32 s2, $0x1;
	[smem:$0x7FF] =	sst s4;
	s7 =	sadd.s32 $0x31E00, s0  }
0xa: {  	s8 =	sadd.s32 $0x1000, s0;
	s2 =	sor.u32 s1, s2;
	_ =	strace $0x80000047  }
0xb: {  	s1 =	ssub.s32 $0x2, s1;
	s5 =	smul.u32 $0xC340, s2;
	s6 =	sshll.u32 s2, $0x7  }
0xc: {  	s26 =	sshrl.u32 s1, $0x1;
	p0 =	sne.s32 s2, $0x0;
	s0 =	sadd.s32 s6, s0  }
0xd: {  	s1 =	ssub.s32 s1, s26;
	s26 =	simm.s32 $0x3;
	s9 =	sshrl.u32 s5, $0x3  }
0xe: {  	s11 =	smax.u32 s1, $0x1;
	s5 =	sadd.s32 s7, s9;
	s10 =	sadd.s32 $0xC30, s9  }
0xf: {  	v0 =	vimm.f32 $0.0e+00;
	v3 =	vlaneseq.u32;
	s6 =	sadd.s32 s8, s9;
	s9 =	sadd.s32 $0x62C00, s0;
	s7 =	sadd.s32 s7, s10  }
0x10: {  	v1 =	vimm.f32 $-Inf;
	v2 =	vor.u32 $0x3F0, v3;
	v3 =	vand.u32 $0x7, v3;
	s8 =	sadd.s32 s8, s10;
	s10 =	sadd.s32 $0x63C00, s0;
	s0 =	simm.s32 $0x0  }
.LBB2_1:
0x11: {  	[tilespmem:s4], [sflag:$0x1] =	stream.linear.gather [hbm4b:s5+s4], $0x6180, $0x38;
	[tilespmem:$0x1AE80] =	vst v63  }
0x12: {  	_ = 	snop  }
0x13: {  	[tilespmem:s12], [sflag:$0x2] =	stream.linear.gather [hbm4b:s6+s4], $0x6180, $0x38;
	[tilespmem:$0x1AE80] =	vst v63  }
0x14: {  	_ = 	snop  }
0x15: {  	[tilespmem:s13], [sflag:$0x3] =	stream.linear.gather [hbm4b:s7+s4], $0x61C0, $0x38;
	[tilespmem:$0x1AE80] =	vst v63  }
0x16: {  	s1 =	simm.s32 $0x0;
	s2 =	simm.s32 $0x40  }
0x17: {  	[tilespmem:s14], [sflag:$0x4] =	stream.linear.gather [hbm4b:s8+s4], $0x61C0, $0x38;
	[tilespmem:$0x1AE80] =	vst v63  }
.LBB2_2:
0x18: {  	p1 =	sne.s32 s2, $0xFC0;
	[tilespmem:s1+$0x1AA80] =	vst v1  }
0x19: {  	[tilespmem:s1+$0x18A80] =	vst v0  }
0x1a: {  	[tilespmem:s1+$0x18E80] =	vst v1  }
0x1b: {  	[tilespmem:s1+$0x19280] =	vst v1  }
.Ltmp0:
0x1c: {  	[tilespmem:s1+$0x19680] =	vst v1;
	(pc) =	sbr.rel @p1 .LBB2_2-.Ltmp0, $4  }
0x1d: {  	[tilespmem:s1+$0x19A80] =	vst v1  }
0x1e: {  	[tilespmem:s1+$0x19E80] =	vst v1  }
0x1f: {  	[tilespmem:s1+$0x1A280] =	vst v1  }
0x20: {  	[tilespmem:s1+$0x1A680] =	vst v1;
	s1 =	sshra.s32 s2, $0x2;
	s2 =	sadd.s32 $0x40, s2  }
0x21: {  	[tilespmem:s1+$0x1AA80] =	vst v1  }
0x22: {  	[tilespmem:s1+$0x18A80] =	vst v0  }
0x23: {  	[tilespmem:s1+$0x18E80] =	vst v1  }
0x24: {  	[tilespmem:s1+$0x19280] =	vst v1  }
0x25: {  	[tilespmem:s1+$0x19680] =	vst v1  }
0x26: {  	[tilespmem:s1+$0x19A80] =	vst v1  }
0x27: {  	[tilespmem:s1+$0x19E80] =	vst v1  }
0x28: {  	[tilespmem:s1+$0x1A280] =	vst v1  }
0x29: {  	[tilespmem:s1+$0x1A680] =	vst v1  }
0x2a: {  	_ =	swait.ge [sflag:s15], $0x6180  }
0x2b: {  	[sflag:s15] =	ssyncset.done $0x0  }
0x2c: {  	[sflag:s15] =	ssyncadd.s32 $0xFFFF9E80  }
0x2d: {  	_ =	swait.ge [sflag:s16], $0x6180  }
0x2e: {  	[sflag:s16] =	ssyncset.done $0x0  }
0x2f: {  	s3 =	simm.s32 $0x0;
	[sflag:s16] =	ssyncadd.s32 $0xFFFF9E80  }
0x30: {  	v6 =	vld [tilespmem:s3+$0x0]  }
0x31: {  	v7 =	vld [tilespmem:s3+$0x20]  }
0x32: {  	v8 =	vld [tilespmem:s3+$0x10]  }
0x33: {  	v10 =	vld [tilespmem:s3+$0x30]  }
0x34: {  	v15 =	vld [tilespmem:s3+$0x50]  }
0x35: {  	v9 =	vld [tilespmem:s3+$0x40];
	_ =	sdelay $0x1  }
0x36: {  	v4 =	vld [tilespmem:s3+$0xC3B0]  }
0x37: {  	v5 =	vld [tilespmem:s3+$0xC3A0];
	v11 =	vshll.u32 v6, $0x4;
	v7 =	vshll.u32 v7, $0x4  }
0x38: {  	v16 =	vld [tilespmem:s3+$0x60];
	v8 =	vshll.u32 v8, $0x4;
	v10 =	vshll.u32 v10, $0x4;
	v19 =	vshll.u32 v15, $0x4  }
0x39: {  	v17 =	vld [tilespmem:s3+$0x70];
	v11 =	vsub.s32 v2, v11;
	v12 =	vsub.s32 v2, v7;
	v7 =	vshll.u32 v9, $0x4  }
0x3a: {  	v14 =	vld [tilespmem:s3+$0xC360];
	v8 =	vsub.s32 v2, v8;
	v9 =	vand.u32 $0xFFFFFFF8, v11;
	v13 =	vsub.s32 v2, v7  }
0x3b: {  	v11 =	vld [tilespmem:s3+$0xC340];
	v8 =	vand.u32 $0xFFFFFFF8, v8;
	v7 =	vor.u32 v3, v9;
	v9 =	vsub.s32 v2, v10  }
0x3c: {  	v10 =	vand.u32 $0xFFFFFFF8, v12;
	v18 =	vand.u32 $0xFFFFFFF8, v13;
	v13 =	vld [tilespmem:s3+$0xC350];
	v12 =	vor.u32 v3, v8  }
0x3d: {  	v6 =	vld [tilespmem:s3+$0xC390];
	v9 =	vand.u32 $0xFFFFFFF8, v9;
	v8 =	vor.u32 v3, v10;
	v10 =	vor.u32 v3, v18  }
0x3e: {  	v15 =	vld [tilespmem:s3+$0xC370];
	v18 =	vsub.s32 v2, v19;
	v19 =	vshll.u32 v16, $0x4;
	v9 =	vor.u32 v3, v9  }
0x3f: {  	v17 =	vshll.u32 v17, $0x4;
	v16 =	vld [tilespmem:s3+$0xC380];
	v19 =	vsub.s32 v2, v19;
	v18 =	vand.u32 $0xFFFFFFF8, v18  }
0x40: {  	v20 =	vsub.s32 v2, v17;
	v17 =	vor.u32 v3, v18;
	v18 =	vand.u32 $0xFFFFFFF8, v19;
	[tilespmem:v7+s17+$0x0] =	vst.idx.add.f32.msk $0xffff, v11  }
0x41: {  	v19 =	vand.u32 $0xFFFFFFF8, v20;
	v18 =	vor.u32 v3, v18;
	[tilespmem:v12+s17+$0x0] =	vst.idx.add.f32.msk $0xffff, v13  }
0x42: {  	v19 =	vor.u32 v3, v19;
	[tilespmem:v8+s17+$0x0] =	vst.idx.add.f32.msk $0xffff, v14  }
0x43: {  	[tilespmem:v9+s17+$0x0] =	vst.idx.add.f32.msk $0xffff, v15  }
0x44: {  	[tilespmem:v10+s17+$0x0] =	vst.idx.add.f32.msk $0xffff, v16  }
0x45: {  	[tilespmem:v17+s17+$0x0] =	vst.idx.add.f32.msk $0xffff, v6  }
0x46: {  	[tilespmem:v18+s17+$0x0] =	vst.idx.add.f32.msk $0xffff, v5  }
0x47: {  	s1 =	simm.s32 $0x200;
	[tilespmem:v19+s17+$0x0] =	vst.idx.add.f32.msk $0xffff, v4  }
.LBB2_4:
0x48: {  	p1 =	sne.s32 s1, $0x18400;
	v20 =	vld.idx.msk [tilespmem:v19+s25+$0x0], $0xffff;
	s2 =	smov.u32 s1;
	s1 =	sadd.s32 $0x200, s1  }
0x49: {  	v21 =	vld.idx.msk [tilespmem:v7+s18+$0x0], $0xffff  }
0x4a: {  	v22 =	vld.idx.msk [tilespmem:v12+s19+$0x0], $0xffff  }
0x4b: {  	v23 =	vld.idx.msk [tilespmem:v8+s20+$0x0], $0xffff  }
0x4c: {  	s2 =	sshra.s32 s2, $0x2;
	v24 =	vld.idx.msk [tilespmem:v9+s21+$0x0], $0xffff  }
0x4d: {  	v25 =	vld.idx.msk [tilespmem:v10+s22+$0x0], $0xffff  }
0x4e: {  	v26 =	vld.idx.msk [tilespmem:v17+s23+$0x0], $0xffff  }
0x4f: {  	v11 =	vmax.f32 v21, v11;
	v27 =	vld.idx.msk [tilespmem:v18+s24+$0x0], $0xffff  }
0x50: {  	v13 =	vmax.f32 v22, v13;
	[tilespmem:v7+s18+$0x0] =	vst.idx.msk $0xffff, v11  }
0x51: {  	v7 =	vmax.f32 v23, v14;
	[tilespmem:v12+s19+$0x0] =	vst.idx.msk $0xffff, v13  }
0x52: {  	v11 =	vmax.f32 v24, v15;
	[tilespmem:v8+s20+$0x0] =	vst.idx.msk $0xffff, v7  }
0x53: {  	v7 =	vmax.f32 v25, v16;
	[tilespmem:v9+s21+$0x0] =	vst.idx.msk $0xffff, v11  }
0x54: {  	v6 =	vmax.f32 v26, v6;
	[tilespmem:v10+s22+$0x0] =	vst.idx.msk $0xffff, v7  }
0x55: {  	v5 =	vmax.f32 v27, v5;
	[tilespmem:v17+s23+$0x0] =	vst.idx.msk $0xffff, v6  }
0x56: {  	v4 =	vmax.f32 v20, v4;
	[tilespmem:v18+s24+$0x0] =	vst.idx.msk $0xffff, v5  }
0x57: {  	[tilespmem:v19+s25+$0x0] =	vst.idx.msk $0xffff, v4  }
0x58: {  	v6 =	vld [tilespmem:s2+$0x0]  }
0x59: {  	v7 =	vld [tilespmem:s2+$0x20]  }
0x5a: {  	v8 =	vld [tilespmem:s2+$0x10]  }
0x5b: {  	v9 =	vld [tilespmem:s2+$0x40]  }
0x5c: {  	v10 =	vld [tilespmem:s2+$0x30]  }
0x5d: {  	v4 =	vld [tilespmem:s2+$0xC3B0]  }
0x5e: {  	v11 =	vshll.u32 v6, $0x4;
	v5 =	vld [tilespmem:s2+$0xC3A0];
	v7 =	vshll.u32 v7, $0x4  }
0x5f: {  	v11 =	vsub.s32 v2, v11;
	v6 =	vld [tilespmem:s2+$0xC390];
	v8 =	vshll.u32 v8, $0x4;
	v12 =	vsub.s32 v2, v7  }
0x60: {  	v15 =	vld [tilespmem:s2+$0x50];
	v8 =	vsub.s32 v2, v8;
	v7 =	vshll.u32 v9, $0x4;
	v9 =	vand.u32 $0xFFFFFFF8, v11  }
0x61: {  	v16 =	vld [tilespmem:s2+$0x60];
	v10 =	vshll.u32 v10, $0x4;
	v11 =	vsub.s32 v2, v7;
	v7 =	vor.u32 v3, v9  }
0x62: {  	v17 =	vld [tilespmem:s2+$0x70];
	v9 =	vsub.s32 v2, v10;
	v10 =	vand.u32 $0xFFFFFFF8, v12;
	v18 =	vand.u32 $0xFFFFFFF8, v11  }
0x63: {  	v12 =	vand.u32 $0xFFFFFFF8, v8;
	v11 =	vld [tilespmem:s2+$0xC340];
	v8 =	vor.u32 v3, v10;
	v9 =	vand.u32 $0xFFFFFFF8, v9  }
0x64: {  	v12 =	vor.u32 v3, v12;
	v13 =	vld [tilespmem:s2+$0xC350];
	v9 =	vor.u32 v3, v9  }
0x65: {  	v10 =	vor.u32 v3, v18;
	v14 =	vld [tilespmem:s2+$0xC360];
	v19 =	vshll.u32 v15, $0x4  }
0x66: {  	v15 =	vld [tilespmem:s2+$0xC370];
	v18 =	vsub.s32 v2, v19;
	v19 =	vshll.u32 v16, $0x4  }
0x67: {  	v16 =	vld [tilespmem:s2+$0xC380];
	v19 =	vsub.s32 v2, v19;
	v17 =	vshll.u32 v17, $0x4;
	v18 =	vand.u32 $0xFFFFFFF8, v18  }
0x68: {  	v20 =	vsub.s32 v2, v17;
	[tilespmem:v7+s17+$0x0] =	vst.idx.add.f32.msk $0xffff, v11;
	v17 =	vor.u32 v3, v18;
	v18 =	vand.u32 $0xFFFFFFF8, v19  }
0x69: {  	[tilespmem:v12+s17+$0x0] =	vst.idx.add.f32.msk $0xffff, v13;
	v18 =	vor.u32 v3, v18;
	v19 =	vand.u32 $0xFFFFFFF8, v20  }
0x6a: {  	[tilespmem:v8+s17+$0x0] =	vst.idx.add.f32.msk $0xffff, v14;
	v19 =	vor.u32 v3, v19  }
.Ltmp1:
0x6b: {  	[tilespmem:v9+s17+$0x0] =	vst.idx.add.f32.msk $0xffff, v15;
	(pc) =	sbr.rel @p1 .LBB2_4-.Ltmp1, $4  }
0x6c: {  	[tilespmem:v10+s17+$0x0] =	vst.idx.add.f32.msk $0xffff, v16  }
0x6d: {  	[tilespmem:v17+s17+$0x0] =	vst.idx.add.f32.msk $0xffff, v6  }
0x6e: {  	[tilespmem:v18+s17+$0x0] =	vst.idx.add.f32.msk $0xffff, v5  }
0x6f: {  	[tilespmem:v19+s17+$0x0] =	vst.idx.add.f32.msk $0xffff, v4  }
0x70: {  	_ =	sdelay $0x3  }
0x71: {  	v20 =	vld.idx.msk [tilespmem:v19+s25+$0x0], $0xffff  }
0x72: {  	v21 =	vld.idx.msk [tilespmem:v7+s18+$0x0], $0xffff  }
0x73: {  	v22 =	vld.idx.msk [tilespmem:v12+s19+$0x0], $0xffff  }
0x74: {  	v23 =	vld.idx.msk [tilespmem:v8+s20+$0x0], $0xffff  }
0x75: {  	v24 =	vld.idx.msk [tilespmem:v9+s21+$0x0], $0xffff  }
0x76: {  	v25 =	vld.idx.msk [tilespmem:v10+s22+$0x0], $0xffff  }
0x77: {  	v26 =	vld.idx.msk [tilespmem:v17+s23+$0x0], $0xffff;
	v11 =	vmax.f32 v21, v11  }
0x78: {  	v27 =	vld.idx.msk [tilespmem:v18+s24+$0x0], $0xffff;
	v13 =	vmax.f32 v22, v13;
	[tilespmem:v7+s18+$0x0] =	vst.idx.msk $0xffff, v11  }
0x79: {  	v7 =	vmax.f32 v23, v14;
	[tilespmem:v12+s19+$0x0] =	vst.idx.msk $0xffff, v13  }
0x7a: {  	v11 =	vmax.f32 v24, v15;
	[tilespmem:v8+s20+$0x0] =	vst.idx.msk $0xffff, v7  }
0x7b: {  	v7 =	vmax.f32 v25, v16;
	[tilespmem:v9+s21+$0x0] =	vst.idx.msk $0xffff, v11  }
0x7c: {  	v6 =	vmax.f32 v26, v6;
	[tilespmem:v10+s22+$0x0] =	vst.idx.msk $0xffff, v7  }
0x7d: {  	v5 =	vmax.f32 v27, v5;
	[tilespmem:v17+s23+$0x0] =	vst.idx.msk $0xffff, v6  }
0x7e: {  	v4 =	vmax.f32 v20, v4;
	[tilespmem:v18+s24+$0x0] =	vst.idx.msk $0xffff, v5  }
0x7f: {  	[tilespmem:v19+s25+$0x0] =	vst.idx.msk $0xffff, v4  }
0x80: {  	_ =	swait.ge [sflag:s26], $0x61C0  }
0x81: {  	[sflag:s26] =	ssyncset.done $0x0  }
0x82: {  	[sflag:s26] =	ssyncadd.s32 $0xFFFF9E40  }
0x83: {  	_ =	swait.ge [sflag:s28], $0x61C0  }
0x84: {  	[sflag:s28] =	ssyncset.done $0x0  }
0x85: {  	s1 =	simm.s32 $0x0;
	[sflag:s28] =	ssyncadd.s32 $0xFFFF9E40  }
0x86: {  	v6 =	vld [tilespmem:s1+$0x6180]  }
0x87: {  	v7 =	vld [tilespmem:s1+$0x61A0]  }
0x88: {  	v8 =	vld [tilespmem:s1+$0x6190]  }
0x89: {  	v10 =	vld [tilespmem:s1+$0x61B0]  }
0x8a: {  	v15 =	vld [tilespmem:s1+$0x61D0]  }
0x8b: {  	v9 =	vld [tilespmem:s1+$0x61C0];
	_ =	sdelay $0x1  }
0x8c: {  	v4 =	vld [tilespmem:s1+$0x12530]  }
0x8d: {  	v5 =	vld [tilespmem:s1+$0x12520];
	v11 =	vshll.u32 v6, $0x4;
	v7 =	vshll.u32 v7, $0x4  }
0x8e: {  	v16 =	vld [tilespmem:s1+$0x61E0];
	v8 =	vshll.u32 v8, $0x4;
	v10 =	vshll.u32 v10, $0x4;
	v19 =	vshll.u32 v15, $0x4  }
0x8f: {  	v17 =	vld [tilespmem:s1+$0x61F0];
	v11 =	vsub.s32 v2, v11;
	v12 =	vsub.s32 v2, v7;
	v7 =	vshll.u32 v9, $0x4  }
0x90: {  	v14 =	vld [tilespmem:s1+$0x124E0];
	v8 =	vsub.s32 v2, v8;
	v9 =	vand.u32 $0xFFFFFFF8, v11;
	v13 =	vsub.s32 v2, v7  }
0x91: {  	v11 =	vld [tilespmem:s1+$0x124C0];
	v8 =	vand.u32 $0xFFFFFFF8, v8;
	v7 =	vor.u32 v3, v9;
	v9 =	vsub.s32 v2, v10  }
0x92: {  	v10 =	vand.u32 $0xFFFFFFF8, v12;
	v18 =	vand.u32 $0xFFFFFFF8, v13;
	v13 =	vld [tilespmem:s1+$0x124D0];
	v12 =	vor.u32 v3, v8  }
0x93: {  	v6 =	vld [tilespmem:s1+$0x12510];
	v9 =	vand.u32 $0xFFFFFFF8, v9;
	v8 =	vor.u32 v3, v10;
	v10 =	vor.u32 v3, v18  }
0x94: {  	v15 =	vld [tilespmem:s1+$0x124F0];
	v18 =	vsub.s32 v2, v19;
	v19 =	vshll.u32 v16, $0x4;
	v9 =	vor.u32 v3, v9  }
0x95: {  	v17 =	vshll.u32 v17, $0x4;
	v16 =	vld [tilespmem:s1+$0x12500];
	v19 =	vsub.s32 v2, v19;
	v18 =	vand.u32 $0xFFFFFFF8, v18  }
0x96: {  	v20 =	vsub.s32 v2, v17;
	v17 =	vor.u32 v3, v18;
	v18 =	vand.u32 $0xFFFFFFF8, v19;
	[tilespmem:v7+s17+$0x0] =	vst.idx.add.f32.msk $0xffff, v11  }
0x97: {  	v19 =	vand.u32 $0xFFFFFFF8, v20;
	v18 =	vor.u32 v3, v18;
	[tilespmem:v12+s17+$0x0] =	vst.idx.add.f32.msk $0xffff, v13  }
0x98: {  	v19 =	vor.u32 v3, v19;
	[tilespmem:v8+s17+$0x0] =	vst.idx.add.f32.msk $0xffff, v14  }
0x99: {  	[tilespmem:v9+s17+$0x0] =	vst.idx.add.f32.msk $0xffff, v15  }
0x9a: {  	[tilespmem:v10+s17+$0x0] =	vst.idx.add.f32.msk $0xffff, v16  }
0x9b: {  	[tilespmem:v17+s17+$0x0] =	vst.idx.add.f32.msk $0xffff, v6  }
0x9c: {  	[tilespmem:v18+s17+$0x0] =	vst.idx.add.f32.msk $0xffff, v5  }
0x9d: {  	s1 =	simm.s32 $0x200;
	[tilespmem:v19+s17+$0x0] =	vst.idx.add.f32.msk $0xffff, v4  }
.LBB2_6:
0x9e: {  	p1 =	sne.s32 s1, $0x18400;
	v20 =	vld.idx.msk [tilespmem:v19+s25+$0x0], $0xffff;
	s2 =	smov.u32 s1;
	s1 =	sadd.s32 $0x200, s1  }
0x9f: {  	v21 =	vld.idx.msk [tilespmem:v7+s18+$0x0], $0xffff  }
0xa0: {  	v22 =	vld.idx.msk [tilespmem:v12+s19+$0x0], $0xffff  }
0xa1: {  	v23 =	vld.idx.msk [tilespmem:v8+s20+$0x0], $0xffff  }
0xa2: {  	s2 =	sshra.s32 s2, $0x2;
	v24 =	vld.idx.msk [tilespmem:v9+s21+$0x0], $0xffff  }
0xa3: {  	v25 =	vld.idx.msk [tilespmem:v10+s22+$0x0], $0xffff  }
0xa4: {  	v26 =	vld.idx.msk [tilespmem:v17+s23+$0x0], $0xffff  }
0xa5: {  	v11 =	vmax.f32 v21, v11;
	v27 =	vld.idx.msk [tilespmem:v18+s24+$0x0], $0xffff  }
0xa6: {  	v13 =	vmax.f32 v22, v13;
	[tilespmem:v7+s18+$0x0] =	vst.idx.msk $0xffff, v11  }
0xa7: {  	v7 =	vmax.f32 v23, v14;
	[tilespmem:v12+s19+$0x0] =	vst.idx.msk $0xffff, v13  }
0xa8: {  	v11 =	vmax.f32 v24, v15;
	[tilespmem:v8+s20+$0x0] =	vst.idx.msk $0xffff, v7  }
0xa9: {  	v7 =	vmax.f32 v25, v16;
	[tilespmem:v9+s21+$0x0] =	vst.idx.msk $0xffff, v11  }
0xaa: {  	v6 =	vmax.f32 v26, v6;
	[tilespmem:v10+s22+$0x0] =	vst.idx.msk $0xffff, v7  }
0xab: {  	v5 =	vmax.f32 v27, v5;
	[tilespmem:v17+s23+$0x0] =	vst.idx.msk $0xffff, v6  }
0xac: {  	v4 =	vmax.f32 v20, v4;
	[tilespmem:v18+s24+$0x0] =	vst.idx.msk $0xffff, v5  }
0xad: {  	[tilespmem:v19+s25+$0x0] =	vst.idx.msk $0xffff, v4  }
0xae: {  	v6 =	vld [tilespmem:s2+$0x6180]  }
0xaf: {  	v7 =	vld [tilespmem:s2+$0x61A0]  }
0xb0: {  	v8 =	vld [tilespmem:s2+$0x6190]  }
0xb1: {  	v9 =	vld [tilespmem:s2+$0x61C0]  }
0xb2: {  	v10 =	vld [tilespmem:s2+$0x61B0]  }
0xb3: {  	v4 =	vld [tilespmem:s2+$0x12530]  }
0xb4: {  	v11 =	vshll.u32 v6, $0x4;
	v5 =	vld [tilespmem:s2+$0x12520];
	v7 =	vshll.u32 v7, $0x4  }
0xb5: {  	v11 =	vsub.s32 v2, v11;
	v6 =	vld [tilespmem:s2+$0x12510];
	v8 =	vshll.u32 v8, $0x4;
	v12 =	vsub.s32 v2, v7  }
0xb6: {  	v15 =	vld [tilespmem:s2+$0x61D0];
	v8 =	vsub.s32 v2, v8;
	v7 =	vshll.u32 v9, $0x4;
	v9 =	vand.u32 $0xFFFFFFF8, v11  }
0xb7: {  	v16 =	vld [tilespmem:s2+$0x61E0];
	v10 =	vshll.u32 v10, $0x4;
	v11 =	vsub.s32 v2, v7;
	v7 =	vor.u32 v3, v9  }
0xb8: {  	v17 =	vld [tilespmem:s2+$0x61F0];
	v9 =	vsub.s32 v2, v10;
	v10 =	vand.u32 $0xFFFFFFF8, v12;
	v18 =	vand.u32 $0xFFFFFFF8, v11  }
0xb9: {  	v12 =	vand.u32 $0xFFFFFFF8, v8;
	v11 =	vld [tilespmem:s2+$0x124C0];
	v8 =	vor.u32 v3, v10;
	v9 =	vand.u32 $0xFFFFFFF8, v9  }
0xba: {  	v12 =	vor.u32 v3, v12;
	v13 =	vld [tilespmem:s2+$0x124D0];
	v9 =	vor.u32 v3, v9  }
0xbb: {  	v10 =	vor.u32 v3, v18;
	v14 =	vld [tilespmem:s2+$0x124E0];
	v19 =	vshll.u32 v15, $0x4  }
0xbc: {  	v15 =	vld [tilespmem:s2+$0x124F0];
	v18 =	vsub.s32 v2, v19;
	v19 =	vshll.u32 v16, $0x4  }
0xbd: {  	v16 =	vld [tilespmem:s2+$0x12500];
	v19 =	vsub.s32 v2, v19;
	v17 =	vshll.u32 v17, $0x4;
	v18 =	vand.u32 $0xFFFFFFF8, v18  }
0xbe: {  	v20 =	vsub.s32 v2, v17;
	[tilespmem:v7+s17+$0x0] =	vst.idx.add.f32.msk $0xffff, v11;
	v17 =	vor.u32 v3, v18;
	v18 =	vand.u32 $0xFFFFFFF8, v19  }
0xbf: {  	[tilespmem:v12+s17+$0x0] =	vst.idx.add.f32.msk $0xffff, v13;
	v18 =	vor.u32 v3, v18;
	v19 =	vand.u32 $0xFFFFFFF8, v20  }
0xc0: {  	[tilespmem:v8+s17+$0x0] =	vst.idx.add.f32.msk $0xffff, v14;
	v19 =	vor.u32 v3, v19  }
.Ltmp2:
0xc1: {  	[tilespmem:v9+s17+$0x0] =	vst.idx.add.f32.msk $0xffff, v15;
	(pc) =	sbr.rel @p1 .LBB2_6-.Ltmp2, $4  }
0xc2: {  	[tilespmem:v10+s17+$0x0] =	vst.idx.add.f32.msk $0xffff, v16  }
0xc3: {  	[tilespmem:v17+s17+$0x0] =	vst.idx.add.f32.msk $0xffff, v6  }
0xc4: {  	[tilespmem:v18+s17+$0x0] =	vst.idx.add.f32.msk $0xffff, v5  }
0xc5: {  	[tilespmem:v19+s17+$0x0] =	vst.idx.add.f32.msk $0xffff, v4  }
0xc6: {  	_ =	sdelay $0x3  }
0xc7: {  	v20 =	vld.idx.msk [tilespmem:v19+s25+$0x0], $0xffff  }
0xc8: {  	v21 =	vld.idx.msk [tilespmem:v7+s18+$0x0], $0xffff  }
0xc9: {  	v22 =	vld.idx.msk [tilespmem:v12+s19+$0x0], $0xffff  }
0xca: {  	v23 =	vld.idx.msk [tilespmem:v8+s20+$0x0], $0xffff  }
0xcb: {  	v24 =	vld.idx.msk [tilespmem:v9+s21+$0x0], $0xffff  }
0xcc: {  	v25 =	vld.idx.msk [tilespmem:v10+s22+$0x0], $0xffff  }
0xcd: {  	v26 =	vld.idx.msk [tilespmem:v17+s23+$0x0], $0xffff;
	v11 =	vmax.f32 v21, v11  }
0xce: {  	v27 =	vld.idx.msk [tilespmem:v18+s24+$0x0], $0xffff;
	v13 =	vmax.f32 v22, v13;
	[tilespmem:v7+s18+$0x0] =	vst.idx.msk $0xffff, v11  }
0xcf: {  	v59 =	vmax.f32 v23, v14;
	[tilespmem:v12+s19+$0x0] =	vst.idx.msk $0xffff, v13  }
0xd0: {  	v60 =	vmax.f32 v24, v15;
	[tilespmem:v8+s20+$0x0] =	vst.idx.msk $0xffff, v59  }
0xd1: {  	v61 =	vmax.f32 v25, v16;
	[tilespmem:v9+s21+$0x0] =	vst.idx.msk $0xffff, v60  }
0xd2: {  	v6 =	vmax.f32 v26, v6;
	[tilespmem:v10+s22+$0x0] =	vst.idx.msk $0xffff, v61  }
0xd3: {  	v5 =	vmax.f32 v27, v5;
	[tilespmem:v17+s23+$0x0] =	vst.idx.msk $0xffff, v6  }
0xd4: {  	v4 =	vmax.f32 v20, v4;
	[tilespmem:v18+s24+$0x0] =	vst.idx.msk $0xffff, v5  }
0xd5: {  	[tilespmem:v19+s25+$0x0] =	vst.idx.msk $0xffff, v4  }
0xd6: {  	v4 =	vld [tilespmem:$0xC300]  }
0xd7: {  	v5 =	vld [tilespmem:$0xC310]  }
0xd8: {  	v6 =	vld [tilespmem:$0xC320]  }
0xd9: {  	v7 =	vld [tilespmem:$0xC330];
	_ =	sdelay $0x2  }
0xda: {  	v4 =	vshll.u32 v4, $0x4  }
0xdb: {  	v5 =	vshll.u32 v5, $0x4;
	v6 =	vshll.u32 v6, $0x4;
	v4 =	vsub.s32 v2, v4  }
0xdc: {  	v7 =	vshll.u32 v7, $0x4;
	v5 =	vsub.s32 v2, v5;
	v4 =	vand.u32 $0xFFFFFFF8, v4  }
0xdd: {  	v8 =	vld [tilespmem:$0x18640];
	v6 =	vsub.s32 v2, v6;
	v5 =	vand.u32 $0xFFFFFFF8, v5;
	v4 =	vor.u32 v3, v4  }
0xde: {  	v9 =	vld [tilespmem:$0x18650];
	v7 =	vsub.s32 v2, v7;
	v6 =	vand.u32 $0xFFFFFFF8, v6;
	v5 =	vor.u32 v3, v5  }
0xdf: {  	v10 =	vld [tilespmem:$0x18660];
	v7 =	vand.u32 $0xFFFFFFF8, v7;
	v6 =	vor.u32 v3, v6  }
0xe0: {  	v11 =	vld [tilespmem:$0x18670];
	v7 =	vor.u32 v3, v7;
	_ =	sdelay $0x1  }
0xe1: {  	[tilespmem:v4+s17+$0x0] =	vst.idx.add.f32.msk $0xffff, v8  }
0xe2: {  	[tilespmem:v5+s17+$0x0] =	vst.idx.add.f32.msk $0xffff, v9  }
0xe3: {  	[tilespmem:v6+s17+$0x0] =	vst.idx.add.f32.msk $0xffff, v10  }
0xe4: {  	[tilespmem:v7+s17+$0x0] =	vst.idx.add.f32.msk $0xffff, v11  }
0xe5: {  	v12 =	vld.idx.msk [tilespmem:v4+s18+$0x0], $0xffff  }
0xe6: {  	v13 =	vld.idx.msk [tilespmem:v5+s19+$0x0], $0xffff  }
0xe7: {  	v62 =	vld.idx.msk [tilespmem:v6+s20+$0x0], $0xffff  }
0xe8: {  	v63 =	vld.idx.msk [tilespmem:v7+s21+$0x0], $0xffff;
	_ =	sdelay $0x1  }
.Ltmp3:
0xe9: {  	v8 =	vmax.f32 v12, v8;
	(pc) =	sbr.rel @p0 .LBB2_11-.Ltmp3, $4  }
0xea: {  	v9 =	vmax.f32 v13, v9;
	[tilespmem:v4+s18+$0x0] =	vst.idx.msk $0xffff, v8  }
0xeb: {  	v4 =	vmax.f32 v62, v10;
	[tilespmem:v5+s19+$0x0] =	vst.idx.msk $0xffff, v9  }
0xec: {  	v5 =	vmax.f32 v63, v11;
	[tilespmem:v6+s20+$0x0] =	vst.idx.msk $0xffff, v4  }
0xed: {  	[tilespmem:v7+s21+$0x0] =	vst.idx.msk $0xffff, v5  }
0xee: {  	s1 =	simm.s32 $0x0;
	s2 =	rddreg [dreg:$0x1]  }
0xef: {  	[tilespmem:s29], [sflag:$0x5] =	stream.linear.gather [hbm4b:s2+s1], $0x200, $0x38;
	[tilespmem:$0x1AE80] =	vst v63  }
0xf0: {  	_ =	swait.ge [sflag:s30], $0x200  }
0xf1: {  	[sflag:s30] =	ssyncset.done $0x0  }
0xf2: {  	[sflag:s30] =	ssyncadd.s32 $0xFFFFFE00  }
0xf3: {  	s3 =	rddreg [dreg:$0x2]  }
0xf4: {  	[tilespmem:s31], [sflag:$0x5] =	stream.linear.gather [hbm4b:s3+s1], $0x200, $0x38;
	[tilespmem:$0x1AE80] =	vst v63  }
0xf5: {  	_ =	swait.ge [sflag:s30], $0x200  }
0xf6: {  	[sflag:s30] =	ssyncset.done $0x0  }
0xf7: {  	s2 =	simm.s32 $0x0;
	s1 =	simm.s32 $0x40;
	[sflag:s30] =	ssyncadd.s32 $0xFFFFFE00  }
.LBB2_9:
0xf8: {  	p1 =	sne.s32 s1, $0x7C0;
	v4 =	vld [tilespmem:s2+$0x18680];
	_ =	sdelay $0x4  }
0xf9: {  	v4 =	vshll.u32 v4, $0x4  }
0xfa: {  	v4 =	vsub.s32 v2, v4  }
0xfb: {  	v4 =	vand.u32 $0xFFFFFFF8, v4  }
0xfc: {  	v5 =	vld [tilespmem:s2+$0x18880];
	v4 =	vor.u32 v3, v4;
	_ =	sdelay $0x4  }
0xfd: {  	[tilespmem:v4+s17+$0x0] =	vst.idx.add.f32.msk $0xffff, v5  }
0xfe: {  	v6 =	vld.idx.msk [tilespmem:v4+s18+$0x0], $0xffff;
	_ =	sdelay $0x2  }
.Ltmp4:
0xff: {  	(pc) =	sbr.rel @p1 .LBB2_9-.Ltmp4, $3  }
0x100: {  	_ =	sdelay $0x1  }
0x101: {  	v5 =	vmax.f32 v6, v5  }
0x102: {  	s2 =	sshra.s32 s1, $0x2;
	s1 =	sadd.s32 $0x40, s1;
	[tilespmem:v4+s18+$0x0] =	vst.idx.msk $0xffff, v5  }
0x103: {  	v4 =	vld [tilespmem:s2+$0x18680];
	_ =	sdelay $0x4  }
0x104: {  	v4 =	vshll.u32 v4, $0x4  }
0x105: {  	v4 =	vsub.s32 v2, v4  }
0x106: {  	v4 =	vand.u32 $0xFFFFFFF8, v4  }
0x107: {  	v5 =	vld [tilespmem:s2+$0x18880];
	v4 =	vor.u32 v3, v4;
	_ =	sdelay $0x4  }
0x108: {  	[tilespmem:v4+s17+$0x0] =	vst.idx.add.f32.msk $0xffff, v5  }
0x109: {  	v6 =	vld.idx.msk [tilespmem:v4+s18+$0x0], $0xffff;
	_ =	sdelay $0x4  }
0x10a: {  	v5 =	vmax.f32 v6, v5  }
0x10b: {  	[tilespmem:v4+s18+$0x0] =	vst.idx.msk $0xffff, v5  }
.LBB2_11:
0x10c: {  	s1 =	simm.s32 $0x0  }
0x10d: {  	v8 =	vld [tilespmem:s1+$0x19280]  }
0x10e: {  	v10 =	vld [tilespmem:s1+$0x19680]  }
0x10f: {  	v5 =	vld [tilespmem:s1+$0x19A80]  }
0x110: {  	v4 =	vld [tilespmem:s1+$0x19E80]  }
0x111: {  	v6 =	vld [tilespmem:s1+$0x1A280]  }
0x112: {  	v7 =	vld [tilespmem:s1+$0x1A680]  }
0x113: {  	s2 =	simm.s32 $0x40;
	v9 =	vld [tilespmem:s1+$0x1AA80]  }
.LBB2_12:
0x114: {  	p1 =	sne.s32 s2, $0xFC0;
	v11 =	vld [tilespmem:s1+$0x18E80]  }
0x115: {  	s3 =	sshra.s32 s2, $0x2  }
0x116: {  	v12 =	vld [tilespmem:s3+$0x19280]  }
0x117: {  	v13 =	vld [tilespmem:s3+$0x19680]  }
.Ltmp5:
0x118: {  	v10 =	vmax.f32 v10, v5;
	v5 =	vld [tilespmem:s3+$0x19A80];
	(pc) =	sbr.rel @p1 .LBB2_12-.Ltmp5, $4  }
0x119: {  	v7 =	vmax.f32 v7, v9;
	v15 =	vmax.f32 v11, v8;
	v11 =	vmax.f32 v4, v6;
	v4 =	vld [tilespmem:s3+$0x19E80]  }
0x11a: {  	v6 =	vld [tilespmem:s3+$0x1A280];
	v14 =	vmax.f32 v15, v10;
	v9 =	vmax.f32 v11, v7  }
0x11b: {  	v7 =	vld [tilespmem:s3+$0x1A680];
	v11 =	vmax.f32 v14, v9;
	v8 =	vmov v12  }
0x11c: {  	s2 =	sadd.s32 $0x40, s2;
	v9 =	vld [tilespmem:s3+$0x1AA80];
	[tilespmem:s1+$0x18E80] =	vst v11;
	v10 =	vmov v13;
	s1 =	smov.u32 s3  }
0x11d: {  	v11 =	vld [tilespmem:s1+$0x18E80];
	_ =	sdelay $0x3  }
0x11e: {  	v5 =	vmax.f32 v10, v5  }
0x11f: {  	v4 =	vmax.f32 v4, v6;
	v63 =	vmax.f32 v7, v9;
	v8 =	vmax.f32 v11, v8  }
0x120: {  	v4 =	vmax.f32 v4, v63;
	v5 =	vmax.f32 v8, v5  }
0x121: {  	v4 =	vmax.f32 v5, v4  }
0x122: {  	[tilespmem:s1+$0x18E80] =	vst v4  }
0x123: {  	[hbm4b:s9+s4] =	stream.linear.scatter [tilespmem:s17], [sflag:$0x5], $0x400, $0x38;
	[tilespmem:$0x1AE80] =	vst v63  }
0x124: {  	s0 =	sadd.s32 $0x1, s0;
	_ =	swait.ge [sflag:s30], $0x400  }
0x125: {  	p1 =	sne.s32 s0, s11;
	[sflag:s30] =	ssyncset.done $0x0  }
.Ltmp6:
0x126: {  	[sflag:s30] =	ssyncadd.s32 $0xFFFFFC00;
	(pc) =	sbr.rel @p1 .LBB2_1-.Ltmp6, $4  }
0x127: {  	[hbm4b:s10+s4] =	stream.linear.scatter [tilespmem:s18], [sflag:$0x5], $0x400, $0x38;
	[tilespmem:$0x1AE80] =	vst v63  }
0x128: {  	_ =	swait.ge [sflag:s30], $0x400  }
0x129: {  	[sflag:s30] =	ssyncset.done $0x0  }
0x12a: {  	[sflag:s30] =	ssyncadd.s32 $0xFFFFFC00  }
0x12b: {  	_ =	sfence.sel $0x180000  }
0x12c: {  	[bflag:$0x0] =	sbarrier.arrive $0xFFFF  }
0x12d: {  	_ =	strace $0x90000047  }
0x12e: {  	s0 =	stileid.u32;
	[bflag:$0x2] =	sbarrier.arrive $0xFFFF  }
0x12f: {  	p0 =	sne.s32 s0, $0x0;
	s0 =	rddreg [dreg:$0x3]  }
0x130: {  	s0 =	sadd.s32 @!p0 $0x100000, s0  }
0x131: {  	[sflag:s0] =	ssyncadd.tile.s32 @!p0 $0x1;
	_ =	shalt  }
.Lfunc_end2:
_tile_overlayer_lowered:
.L_overlay_start_2:
0x132: {  	(tag) =	ssettag $0x2  }
0x133: {  	s0 =	rddreg [dreg:$0x0];
	s2 =	stileid.u32  }
0x134: {  	s1 =	rddreg [dreg:$0x1];
	p0 =	sne.s32 s2, $0x0  }
0x135: {  	s3 =	rddreg [dreg:$0x2];
	[bflag:$0x3] =	sbarrier.arrive $0xFFFF;
	s2 =	simm.s32 @!p0 $0x1C05  }
0x136: {  	[timem:s3], [sflag:s2] =	dma.local @!p0 [hbm:s0], s1  }
0x137: {  	s0 =	simm.s32 @!p0 $0x5  }
0x138: {  	_ =	swait.ge @!p0 [sflag:s0], s1  }
0x139: {  	s1 =	ssub.s32 @!p0 $0x0, s1;
	[sflag:s0] =	ssyncset.done @!p0 $0x0  }
0x13a: {  	[sflag:s0] =	ssyncadd.s32 @!p0 s1  }
0x13b: {  	[bflag:$0x3] =	sbarrier.arrive $0xFFFF  }
0x13c: {  	_ =	shalt  }

</sc_bundles>
